<compile_context>
chip_gen: v7x
topology: tpu7x:2x2x1
jax: 0.10.2.dev20260603
libtpu: 0.0.44.dev20260713+nightly
codegen_flags: <defaults>
</compile_context>

<pallas_src>
import functools

import jax
import jax.numpy as jnp
from jax import lax
from jax.experimental import pallas as pl
from jax.experimental.pallas import tpu as pltpu
from jax.experimental.pallas import tpu_sc as plsc

_N = 10000
_E = 320000
_EMBED = 128
_HID = 256
_NG = 50
_RBF_R = 12.0
_AVG_LEN = 60.0
_CONN = 32.0
_NGRAPH = 64

_NC = 2
_NS = 16
_L = 16
_NW = _NC * _NS
_EPW = _E // _NW

_GCH = 80
_GITER = _EPW // _GCH

_SCH = 400
_SITER = _EPW // _SCH

_NP = 10240
_ACC = 4 * _NP

_BE = 2560


def _gather_body(x_hbm, src_hbm, dst_hbm, xs_out, xd_out,
                 idx_s0, idx_d0,
                 rows_s0, rows_s1, rows_d0, rows_d1,
                 gs0, gs1, gd0, gd1, ws0, ws1, wd0, wd1):
    wid = lax.axis_index("s") * _NC + lax.axis_index("c")
    base0 = wid * _EPW
    rows_s = (rows_s0, rows_s1)
    rows_d = (rows_d0, rows_d1)
    gsem_s = (gs0, gs1)
    gsem_d = (gd0, gd1)
    wsem_s = (ws0, ws1)
    wsem_d = (wd0, wd1)

    pltpu.sync_copy(src_hbm.at[pl.ds(base0, _EPW)], idx_s0)
    pltpu.sync_copy(dst_hbm.at[pl.ds(base0, _EPW)], idx_d0)

    def start_gather(i, par):
        isl = pl.ds(i * _GCH, _GCH)
        pltpu.async_copy(x_hbm.at[idx_s0.at[isl]], rows_s[par], gsem_s[par])
        pltpu.async_copy(x_hbm.at[idx_d0.at[isl]], rows_d[par], gsem_d[par])

    def wait_gather(par):
        zsl = pl.ds(0, _GCH)
        pltpu.make_async_copy(
            x_hbm.at[idx_s0.at[zsl]], rows_s[par], gsem_s[par]).wait()
        pltpu.make_async_copy(
            x_hbm.at[idx_d0.at[zsl]], rows_d[par], gsem_d[par]).wait()

    def start_writeout(i, par):
        dst = pl.ds(base0 + i * _GCH, _GCH)
        pltpu.async_copy(rows_s[par], xs_out.at[dst], wsem_s[par])
        pltpu.async_copy(rows_d[par], xd_out.at[dst], wsem_d[par])

    def wait_writeout(par):
        dst = pl.ds(0, _GCH)
        pltpu.make_async_copy(rows_s[par], xs_out.at[dst], wsem_s[par]).wait()
        pltpu.make_async_copy(rows_d[par], xd_out.at[dst], wsem_d[par]).wait()

    def advance(i, par):
        nxt = 1 - par

        @pl.when(i + 1 < _GITER)
        def _():
            @pl.when(i >= 1)
            def _():
                wait_writeout(nxt)

            start_gather(i + 1, nxt)

        wait_gather(par)
        start_writeout(i, par)

    start_gather(0, 0)

    def step(g, carry):
        advance(2 * g, 0)
        advance(2 * g + 1, 1)
        return carry

    lax.fori_loop(0, _GITER // 2, step, 0)
    wait_gather(0)
    start_writeout(_GITER - 1, 0)
    wait_writeout(1)
    wait_writeout(0)


def _scatter_body(pairs_hbm, src_hbm, part_out, acc, pairs_v, src_v):
    wid = lax.axis_index("s") * _NC + lax.axis_index("c")
    zero = jnp.zeros((_L,), jnp.float32)

    def zstep(i, carry):
        acc[pl.ds(i * _L, _L)] = zero
        return carry

    lax.fori_loop(0, _ACC // _L, zstep, 0)

    lane = lax.iota(jnp.int32, _L)
    eo = lane >> 2
    fld = lane & 3

    def chunk(c, carry):
        base = wid * _EPW + c * _SCH
        pltpu.sync_copy(src_hbm.at[pl.ds(base, _SCH)], src_v)
        pltpu.sync_copy(pairs_hbm.at[pl.ds(base * 4, _SCH * 4)], pairs_v)

        def grp(j, icarry):
            vals = pairs_v[pl.ds(j * _L, _L)]
            s = plsc.load_gather(src_v, [j * 4 + eo])
            tgt = fld * _NP + s
            for e in range(4):
                plsc.addupdate_scatter(acc, [tgt], vals, mask=eo == e)
            return icarry

        lax.fori_loop(0, _SCH // 4, grp, 0)
        return carry

    lax.fori_loop(0, _SITER, chunk, 0)
    pltpu.sync_copy(acc, part_out.at[wid])


def _mlp_body(xs, xd, dist, vech, W1, W2, Wg, b1,
              e_Wh, e_bh, e_Wout, e_bout,
              f_Wh, f_bh, f_Wout, f_bout, out_ref):
    step = _RBF_R / (_NG - 1)
    offs = lax.broadcasted_iota(jnp.int32, (1, _NG), 1).astype(jnp.float32) * step
    coeff = -0.5 / step**2
    g = jnp.exp(coeff * (dist[...] - offs) ** 2)

    def silu(v):
        return 0.5 * v * (1.0 + jnp.tanh(0.5 * v))

    h = (jnp.dot(xs[...].astype(jnp.bfloat16), W1[...],
                 preferred_element_type=jnp.float32)
         + jnp.dot(xd[...].astype(jnp.bfloat16), W2[...],
                   preferred_element_type=jnp.float32)
         + jnp.dot(g.astype(jnp.bfloat16), Wg[...],
                   preferred_element_type=jnp.float32)
         + b1[...])
    h = silu(h)

    def head(h1, Wh, bh, Wout, bout):
        h2 = jnp.dot(h1.astype(jnp.bfloat16), Wh[...],
                     preferred_element_type=jnp.float32) + bh[...]
        h2 = h1 + silu(h2)
        return jnp.dot(h2.astype(jnp.bfloat16), Wout[...],
                       preferred_element_type=jnp.float32) + bout[...]

    ep = head(h[:, :_HID], e_Wh, e_bh, e_Wout, e_bout) * (1.0 / (_AVG_LEN * _CONN))
    fp = head(h[:, _HID:], f_Wh, f_bh, f_Wout, f_bout) * (1.0 / _CONN)
    out_ref[...] = jnp.concatenate([ep, fp * vech[...]], axis=1)


def _finish_body(x_ref, b_ref, energy_ref, ft_ref):
    xv = x_ref[...]
    e_node = jnp.sum(xv[:, 0:_NP], axis=0, keepdims=True)
    ft_ref[0:1, :] = jnp.sum(xv[:, _NP:2 * _NP], axis=0, keepdims=True)
    ft_ref[1:2, :] = jnp.sum(xv[:, 2 * _NP:3 * _NP], axis=0, keepdims=True)
    ft_ref[2:3, :] = jnp.sum(xv[:, 3 * _NP:4 * _NP], axis=0, keepdims=True)
    gid = lax.broadcasted_iota(jnp.int32, (_NGRAPH, 1), 0)
    onehot = (b_ref[...] == gid).astype(jnp.float32)
    energy_ref[...] = lax.dot_general(
        onehot, e_node, (((1,), (1,)), ((), ())),
        preferred_element_type=jnp.float32)


@functools.lru_cache(maxsize=None)
def _sc_calls():
    mesh = plsc.VectorSubcoreMesh(core_axis_name="c", subcore_axis_name="s")
    gather = pl.kernel(
        _gather_body,
        out_type=[jax.ShapeDtypeStruct((_E, _EMBED), jnp.float32),
                  jax.ShapeDtypeStruct((_E, _EMBED), jnp.float32)],
        mesh=mesh,
        scratch_types=(
            [pltpu.VMEM((_EPW,), jnp.int32)] * 2
            + [pltpu.VMEM((_GCH, _EMBED), jnp.float32)] * 4
            + [pltpu.SemaphoreType.DMA] * 8
        ),
    )
    scatter = pl.kernel(
        _scatter_body,
        out_type=[jax.ShapeDtypeStruct((_NW, _ACC), jnp.float32)],
        mesh=mesh,
        compiler_params=pltpu.CompilerParams(needs_layout_passes=False),
        scratch_types=[
            pltpu.VMEM((_ACC,), jnp.float32),
            pltpu.VMEM((_SCH * 4,), jnp.float32),
            pltpu.VMEM((_SCH,), jnp.int32),
        ],
    )
    return gather, scatter


def _mlp_call(xs, xd, dist2, vech3, *weights):
    grid = (_E // _BE,)
    edge_spec = lambda width: pl.BlockSpec((_BE, width), lambda i: (i, 0))
    w_spec = lambda a, b: pl.BlockSpec((a, b), lambda i: (0, 0))
    in_specs = [
        edge_spec(_EMBED), edge_spec(_EMBED), edge_spec(1), edge_spec(3),
        w_spec(_EMBED, 2 * _HID), w_spec(_EMBED, 2 * _HID),
        w_spec(_NG, 2 * _HID), w_spec(1, 2 * _HID),
        w_spec(_HID, _HID), w_spec(1, _HID),
        w_spec(_HID, 1), w_spec(1, 1),
        w_spec(_HID, _HID), w_spec(1, _HID),
        w_spec(_HID, 1), w_spec(1, 1),
    ]
    return pl.pallas_call(
        _mlp_body,
        grid=grid,
        in_specs=in_specs,
        out_specs=pl.BlockSpec((_BE, 4), lambda i: (i, 0)),
        out_shape=jax.ShapeDtypeStruct((_E, 4), jnp.float32),
    )(xs, xd, dist2, vech3, *weights)


def _finish_call(x, batch2):
    return pl.pallas_call(
        _finish_body,
        in_specs=[pl.BlockSpec((_NW, _ACC), lambda: (0, 0)),
                  pl.BlockSpec((1, _NP), lambda: (0, 0))],
        out_specs=[pl.BlockSpec((_NGRAPH, 1), lambda: (0, 0)),
                   pl.BlockSpec((3, _NP), lambda: (0, 0))],
        out_shape=[jax.ShapeDtypeStruct((_NGRAPH, 1), jnp.float32),
                   jax.ShapeDtypeStruct((3, _NP), jnp.float32)],
    )(x, batch2)


def kernel(x, edge_index, batch, dist, vec_hat,
           W_rbf, b_rbf,
           e_Win, e_bin, e_Wh, e_bh, e_Wout, e_bout,
           f_Win, f_bin, f_Wh, f_bh, f_Wout, f_bout):
    gather_call, scatter_call = _sc_calls()
    src = edge_index[0]
    dst = edge_index[1]
    dist2 = dist.reshape(_E, 1)
    bf = jnp.bfloat16
    W1 = jnp.concatenate([e_Win[:_EMBED], f_Win[:_EMBED]], axis=1)
    W2 = jnp.concatenate(
        [e_Win[_EMBED:2 * _EMBED], f_Win[_EMBED:2 * _EMBED]], axis=1)
    W3 = jnp.concatenate([e_Win[2 * _EMBED:], f_Win[2 * _EMBED:]], axis=1)
    Wg = W_rbf @ W3
    b1 = (b_rbf @ W3 + jnp.concatenate([e_bin, f_bin])).reshape(1, 2 * _HID)
    weights = (
        W1.astype(bf), W2.astype(bf), Wg.astype(bf), b1,
        e_Wh.astype(bf), e_bh.reshape(1, _HID),
        e_Wout.astype(bf), e_bout.reshape(1, 1),
        f_Wh.astype(bf), f_bh.reshape(1, _HID),
        f_Wout.astype(bf), f_bout.reshape(1, 1))
    xs, xd = gather_call(x, src, dst)
    pairs = _mlp_call(xs, xd, dist2, vec_hat, *weights)
    (partials,) = scatter_call(pairs.reshape(_E * 4), src)
    batch_p = jnp.full((1, _NP), _NGRAPH, jnp.int32).at[0, :_N].set(batch)
    energy, ft = _finish_call(partials, batch_p)
    forces = ft[:, :_N].T
    return (energy, forces)

# --- scband reference (transcript-rebuilt; emitter-appended) ---
"""Pipeline reference for scband-output-module-55568286876197 (READ-ONLY COPY).

The authoritative reference and input builder live on the scoring server;
editing this copy changes nothing except your own understanding.
"""

import jax, jax.numpy as jnp
import numpy as np

N = 10000
E = 320000
EMBED = 128
HID = 256
NG = 50
RBF_R = 12.0
AVG_LEN = 60.0
CONN = 32.0
NGRAPH = 64


def _glorot(key, shape):
    fan_in, fan_out = shape[0], shape[1]
    lim = np.sqrt(6.0 / (fan_in + fan_out))
    return jax.random.uniform(key, shape, jnp.float32, -lim, lim)


def setup_inputs(seed: int = 0) -> dict:
    key = jax.random.key(seed)
    ks = jax.random.split(key, 24)
    x = jax.random.normal(ks[0], (N, EMBED), jnp.float32)
    edge_index = jax.random.randint(ks[1], (2, E), 0, N, jnp.int32)
    batch = jnp.sort(jax.random.randint(ks[2], (N,), 0, NGRAPH, jnp.int32))
    dist = jax.random.uniform(ks[3], (E,), jnp.float32) * RBF_R
    v = jax.random.normal(ks[4], (E, 3), jnp.float32)
    vec_hat = v / (jnp.linalg.norm(v, axis=-1, keepdims=True) + 1e-8)
    inp = {
        'x': x, 'edge_index': edge_index, 'batch': batch, 'dist': dist, 'vec_hat': vec_hat,
        'W_rbf': _glorot(ks[5], (NG, EMBED)), 'b_rbf': jnp.zeros((EMBED,), jnp.float32),
        'e_Win': _glorot(ks[6], (3 * EMBED, HID)), 'e_bin': jnp.zeros((HID,), jnp.float32),
        'e_Wh': _glorot(ks[7], (HID, HID)), 'e_bh': jnp.zeros((HID,), jnp.float32),
        'e_Wout': _glorot(ks[8], (HID, 1)), 'e_bout': jnp.zeros((1,), jnp.float32),
        'f_Win': _glorot(ks[9], (3 * EMBED, HID)), 'f_bin': jnp.zeros((HID,), jnp.float32),
        'f_Wh': _glorot(ks[10], (HID, HID)), 'f_bh': jnp.zeros((HID,), jnp.float32),
        'f_Wout': _glorot(ks[11], (HID, 1)), 'f_bout': jnp.zeros((1,), jnp.float32),
    }
    return inp


def _rbf(dist, W_rbf, b_rbf):
    offsets = jnp.linspace(0.0, RBF_R, NG)
    coeff = -0.5 / (offsets[1] - offsets[0]) ** 2
    g = jnp.exp(coeff * (dist[:, None] - offsets[None, :]) ** 2)
    return g @ W_rbf + b_rbf


def _res_mlp(h, Win, bin_, Wh, bh, Wout, bout):
    h = jax.nn.silu(h @ Win + bin_)
    h = h + jax.nn.silu(h @ Wh + bh)
    return h @ Wout + bout


def reference(x, edge_index, batch, dist, vec_hat,
              W_rbf, b_rbf,
              e_Win, e_bin, e_Wh, e_bh, e_Wout, e_bout,
              f_Win, f_bin, f_Wh, f_bh, f_Wout, f_bout):
    src, dst = edge_index[0], edge_index[1]
    rbf = _rbf(dist, W_rbf, b_rbf)
    inputs = jnp.concatenate([x[src], x[dst], rbf], axis=-1)
    energy_pairs = _res_mlp(inputs, e_Win, e_bin, e_Wh, e_bh, e_Wout, e_bout)
    force_pairs = _res_mlp(inputs, f_Win, f_bin, f_Wh, f_bh, f_Wout, f_bout) * vec_hat
    num_graphs = NGRAPH
    energy = jax.ops.segment_sum(energy_pairs, batch[src], num_segments=num_graphs) / (AVG_LEN * CONN)
    forces = jax.ops.segment_sum(force_pairs, src, num_segments=N) / CONN
    return (energy, forces)

if __name__ == "__main__":
    import jax
    _d = setup_inputs()
    print(jax.jit(kernel)(*tuple(_d.values())))

</pallas_src>

<mosaic_0001>
#map = affine_map<(d0, d1) -> (0, 0)>
#map1 = affine_map<(d0, d1) -> (0)>
module attributes {stable_mosaic.version = 14 : i64} {
  func.func @_gather_body(%arg0: i32, %arg1: i32, %arg2: memref<10000x128xf32, #tpu.memory_space<hbm>>, %arg3: memref<320000xi32, #tpu.memory_space<hbm>>, %arg4: memref<320000xi32, #tpu.memory_space<hbm>>, %arg5: memref<320000x128xf32, #tpu.memory_space<hbm>>, %arg6: memref<320000x128xf32, #tpu.memory_space<hbm>>, %arg7: memref<10000xi32, #tpu.memory_space<vmem>>, %arg8: memref<10000xi32, #tpu.memory_space<vmem>>, %arg9: memref<80x128xf32, #tpu.memory_space<vmem>>, %arg10: memref<80x128xf32, #tpu.memory_space<vmem>>, %arg11: memref<80x128xf32, #tpu.memory_space<vmem>>, %arg12: memref<80x128xf32, #tpu.memory_space<vmem>>, %arg13: memref<!tpu.dma_semaphore, #tpu.memory_space<semaphore_mem>>, %arg14: memref<!tpu.dma_semaphore, #tpu.memory_space<semaphore_mem>>, %arg15: memref<!tpu.dma_semaphore, #tpu.memory_space<semaphore_mem>>, %arg16: memref<!tpu.dma_semaphore, #tpu.memory_space<semaphore_mem>>, %arg17: memref<!tpu.dma_semaphore, #tpu.memory_space<semaphore_mem>>, %arg18: memref<!tpu.dma_semaphore, #tpu.memory_space<semaphore_mem>>, %arg19: memref<!tpu.dma_semaphore, #tpu.memory_space<semaphore_mem>>, %arg20: memref<!tpu.dma_semaphore, #tpu.memory_space<semaphore_mem>>) attributes {dimension_semantics = [#tpu.dimension_semantics<core_parallel>, #tpu.dimension_semantics<subcore_parallel>], iteration_bounds = array<i64: 2, 16>, scalar_prefetch = 0 : i64, scratch_operands = 14 : i64, tpu.core_type = #tpu.core_type<sc_vector_subcore>, window_params = [{transform_indices = #map}, {transform_indices = #map1}, {transform_indices = #map1}, {transform_indices = #map}, {transform_indices = #map}]} {
    %mul3A = arith.constant 2 : i32
    %mul3A_0 = arith.muli %arg1, %mul3A : i32
    %add3A = arith.addi %mul3A_0, %arg0 : i32
    %mul3A_1 = arith.constant 10000 : i32
    %mul3A_2 = arith.muli %add3A, %mul3A_1 : i32
    "tpu.region"() ({
      %run_scoped3A = tpu.sem_alloc : memref<!tpu.dma_semaphore, #tpu.memory_space<semaphore_mem>>
      %dma_start3A_60 = tpu.memref_slice %arg3[%mul3A_2] : memref<320000xi32, #tpu.memory_space<hbm>> -> memref<10000xi32, #tpu.memory_space<hbm>>
      %dma_start3A_61 = tpu.memref_slice %arg3[%mul3A_2] : memref<320000xi32, #tpu.memory_space<hbm>> -> memref<10000xi32, #tpu.memory_space<hbm>>
      tpu.enqueue_dma source(%dma_start3A_61 : memref<10000xi32, #tpu.memory_space<hbm>>) target(%arg7 : memref<10000xi32, #tpu.memory_space<vmem>>) target_semaphore(%run_scoped3A : memref<!tpu.dma_semaphore, #tpu.memory_space<semaphore_mem>>)
      %dma_wait3A_62 = tpu.memref_slice %arg3[%mul3A_2] : memref<320000xi32, #tpu.memory_space<hbm>> -> memref<10000xi32, #tpu.memory_space<hbm>>
      %dma_wait3A_63 = tpu.memref_slice %arg3[%mul3A_2] : memref<320000xi32, #tpu.memory_space<hbm>> -> memref<10000xi32, #tpu.memory_space<hbm>>
      tpu.wait_dma2 semaphore(%run_scoped3A : memref<!tpu.dma_semaphore, #tpu.memory_space<semaphore_mem>>) src(%dma_wait3A_63 : memref<10000xi32, #tpu.memory_space<hbm>>) dst(%arg7 : memref<10000xi32, #tpu.memory_space<vmem>>)
      tpu.yield
    }) : () -> ()
    "tpu.region"() ({
      %run_scoped3A = tpu.sem_alloc : memref<!tpu.dma_semaphore, #tpu.memory_space<semaphore_mem>>
      %dma_start3A_60 = tpu.memref_slice %arg4[%mul3A_2] : memref<320000xi32, #tpu.memory_space<hbm>> -> memref<10000xi32, #tpu.memory_space<hbm>>
      %dma_start3A_61 = tpu.memref_slice %arg4[%mul3A_2] : memref<320000xi32, #tpu.memory_space<hbm>> -> memref<10000xi32, #tpu.memory_space<hbm>>
      tpu.enqueue_dma source(%dma_start3A_61 : memref<10000xi32, #tpu.memory_space<hbm>>) target(%arg8 : memref<10000xi32, #tpu.memory_space<vmem>>) target_semaphore(%run_scoped3A : memref<!tpu.dma_semaphore, #tpu.memory_space<semaphore_mem>>)
      %dma_wait3A_62 = tpu.memref_slice %arg4[%mul3A_2] : memref<320000xi32, #tpu.memory_space<hbm>> -> memref<10000xi32, #tpu.memory_space<hbm>>
      %dma_wait3A_63 = tpu.memref_slice %arg4[%mul3A_2] : memref<320000xi32, #tpu.memory_space<hbm>> -> memref<10000xi32, #tpu.memory_space<hbm>>
      tpu.wait_dma2 semaphore(%run_scoped3A : memref<!tpu.dma_semaphore, #tpu.memory_space<semaphore_mem>>) src(%dma_wait3A_63 : memref<10000xi32, #tpu.memory_space<hbm>>) dst(%arg8 : memref<10000xi32, #tpu.memory_space<vmem>>)
      tpu.yield
    }) : () -> ()
    %dma_start3A = arith.constant 0 : i32
    %dma_start3A_3 = tpu.memref_slice %arg7[%dma_start3A] : memref<10000xi32, #tpu.memory_space<vmem>> -> memref<80xi32, #tpu.memory_space<vmem>>
    %dma_start3A_4 = arith.constant 0 : i32
    %dma_start3A_5 = arith.constant 0 : i32
    %dma_start3A_6 = tpu.memref_slice %arg2[%dma_start3A_4, %dma_start3A_5] : memref<10000x128xf32, #tpu.memory_space<hbm>> -> memref<10000x128xf32, #tpu.memory_space<hbm>>
    tpu.enqueue_indirect_dma source(%dma_start3A_6 : memref<10000x128xf32, #tpu.memory_space<hbm>>) target(%arg9 : memref<80x128xf32, #tpu.memory_space<vmem>>) offsets(%dma_start3A_3 : memref<80xi32, #tpu.memory_space<vmem>>) semaphore(%arg13 : memref<!tpu.dma_semaphore, #tpu.memory_space<semaphore_mem>>)
    %dma_start3A_7 = arith.constant 0 : i32
    %dma_start3A_8 = tpu.memref_slice %arg8[%dma_start3A_7] : memref<10000xi32, #tpu.memory_space<vmem>> -> memref<80xi32, #tpu.memory_space<vmem>>
    %dma_start3A_9 = arith.constant 0 : i32
    %dma_start3A_10 = arith.constant 0 : i32
    %dma_start3A_11 = tpu.memref_slice %arg2[%dma_start3A_9, %dma_start3A_10] : memref<10000x128xf32, #tpu.memory_space<hbm>> -> memref<10000x128xf32, #tpu.memory_space<hbm>>
    tpu.enqueue_indirect_dma source(%dma_start3A_11 : memref<10000x128xf32, #tpu.memory_space<hbm>>) target(%arg11 : memref<80x128xf32, #tpu.memory_space<vmem>>) offsets(%dma_start3A_8 : memref<80xi32, #tpu.memory_space<vmem>>) semaphore(%arg15 : memref<!tpu.dma_semaphore, #tpu.memory_space<semaphore_mem>>)
    %scan3A = arith.constant 0 : i32
    %scan3A_12 = arith.constant 0 : i32
    %scan3A_13 = arith.constant 62 : i32
    %scan3A_14 = arith.addi %scan3A_12, %scan3A_13 : i32
    %scan3A_15 = arith.constant 1 : i32
    scf.for %scan3A_60 = %scan3A_12 to %scan3A_14 step %scan3A_15  : i32 {
      %mul3A_61 = arith.constant 2 : i32
      %mul3A_62 = arith.muli %mul3A_61, %scan3A_60 : i32
      %add3A_63 = arith.constant 1 : i32
      %add3A_64 = arith.addi %mul3A_62, %add3A_63 : i32
      %lt3A = arith.constant 125 : i32
      %lt3A_65 = arith.cmpi slt, %add3A_64, %lt3A : i32
      %convert_element_type3A = arith.extui %lt3A_65 : i1 to i32
      %cond3A = arith.constant 0 : i32
      %cond3A_66 = arith.cmpi ne, %convert_element_type3A, %cond3A : i32
      scf.if %cond3A_66 {
        %ge3A = arith.constant 1 : i32
        %ge3A_120 = arith.cmpi sge, %mul3A_62, %ge3A : i32
        %convert_element_type3A_121 = arith.extui %ge3A_120 : i1 to i32
        %cond3A_122 = arith.constant 0 : i32
        %cond3A_123 = arith.cmpi ne, %convert_element_type3A_121, %cond3A_122 : i32
        scf.if %cond3A_123 {
          %dma_wait3A_136 = arith.constant 0 : i32
          %dma_wait3A_137 = arith.constant 0 : i32
          %dma_wait3A_138 = tpu.memref_slice %arg5[%dma_wait3A_136, %dma_wait3A_137] : memref<320000x128xf32, #tpu.memory_space<hbm>> -> memref<80x128xf32, #tpu.memory_space<hbm>>
          %dma_wait3A_139 = arith.constant 0 : i32
          %dma_wait3A_140 = arith.constant 0 : i32
          %dma_wait3A_141 = tpu.memref_slice %arg5[%dma_wait3A_139, %dma_wait3A_140] : memref<320000x128xf32, #tpu.memory_space<hbm>> -> memref<80x128xf32, #tpu.memory_space<hbm>>
          tpu.wait_dma2 semaphore(%arg18 : memref<!tpu.dma_semaphore, #tpu.memory_space<semaphore_mem>>) src(%arg10 : memref<80x128xf32, #tpu.memory_space<vmem>>) dst(%dma_wait3A_141 : memref<80x128xf32, #tpu.memory_space<hbm>>)
          %dma_wait3A_142 = arith.constant 0 : i32
          %dma_wait3A_143 = arith.constant 0 : i32
          %dma_wait3A_144 = tpu.memref_slice %arg6[%dma_wait3A_142, %dma_wait3A_143] : memref<320000x128xf32, #tpu.memory_space<hbm>> -> memref<80x128xf32, #tpu.memory_space<hbm>>
          %dma_wait3A_145 = arith.constant 0 : i32
          %dma_wait3A_146 = arith.constant 0 : i32
          %dma_wait3A_147 = tpu.memref_slice %arg6[%dma_wait3A_145, %dma_wait3A_146] : memref<320000x128xf32, #tpu.memory_space<hbm>> -> memref<80x128xf32, #tpu.memory_space<hbm>>
          tpu.wait_dma2 semaphore(%arg20 : memref<!tpu.dma_semaphore, #tpu.memory_space<semaphore_mem>>) src(%arg12 : memref<80x128xf32, #tpu.memory_space<vmem>>) dst(%dma_wait3A_147 : memref<80x128xf32, #tpu.memory_space<hbm>>)
        } else {
        }
        %add3A_124 = arith.constant 1 : i32
        %add3A_125 = arith.addi %mul3A_62, %add3A_124 : i32
        %mul3A_126 = arith.constant 80 : i32
        %mul3A_127 = arith.muli %add3A_125, %mul3A_126 : i32
        %dma_start3A_128 = tpu.memref_slice %arg7[%mul3A_127] : memref<10000xi32, #tpu.memory_space<vmem>> -> memref<80xi32, #tpu.memory_space<vmem>>
        %dma_start3A_129 = arith.constant 0 : i32
        %dma_start3A_130 = arith.constant 0 : i32
        %dma_start3A_131 = tpu.memref_slice %arg2[%dma_start3A_129, %dma_start3A_130] : memref<10000x128xf32, #tpu.memory_space<hbm>> -> memref<10000x128xf32, #tpu.memory_space<hbm>>
        tpu.enqueue_indirect_dma source(%dma_start3A_131 : memref<10000x128xf32, #tpu.memory_space<hbm>>) target(%arg10 : memref<80x128xf32, #tpu.memory_space<vmem>>) offsets(%dma_start3A_128 : memref<80xi32, #tpu.memory_space<vmem>>) semaphore(%arg14 : memref<!tpu.dma_semaphore, #tpu.memory_space<semaphore_mem>>)
        %dma_start3A_132 = tpu.memref_slice %arg8[%mul3A_127] : memref<10000xi32, #tpu.memory_space<vmem>> -> memref<80xi32, #tpu.memory_space<vmem>>
        %dma_start3A_133 = arith.constant 0 : i32
        %dma_start3A_134 = arith.constant 0 : i32
        %dma_start3A_135 = tpu.memref_slice %arg2[%dma_start3A_133, %dma_start3A_134] : memref<10000x128xf32, #tpu.memory_space<hbm>> -> memref<10000x128xf32, #tpu.memory_space<hbm>>
        tpu.enqueue_indirect_dma source(%dma_start3A_135 : memref<10000x128xf32, #tpu.memory_space<hbm>>) target(%arg12 : memref<80x128xf32, #tpu.memory_space<vmem>>) offsets(%dma_start3A_132 : memref<80xi32, #tpu.memory_space<vmem>>) semaphore(%arg16 : memref<!tpu.dma_semaphore, #tpu.memory_space<semaphore_mem>>)
      } else {
      }
      %dma_wait3A_67 = arith.constant 0 : i32
      %dma_wait3A_68 = tpu.memref_slice %arg7[%dma_wait3A_67] : memref<10000xi32, #tpu.memory_space<vmem>> -> memref<80xi32, #tpu.memory_space<vmem>>
      %dma_wait3A_69 = arith.constant 0 : i32
      %dma_wait3A_70 = arith.constant 0 : i32
      %dma_wait3A_71 = tpu.memref_slice %arg2[%dma_wait3A_69, %dma_wait3A_70] : memref<10000x128xf32, #tpu.memory_space<hbm>> -> memref<10000x128xf32, #tpu.memory_space<hbm>>
      tpu.wait_indirect_dma semaphore(%arg13 : memref<!tpu.dma_semaphore, #tpu.memory_space<semaphore_mem>>) src(%dma_wait3A_71 : memref<10000x128xf32, #tpu.memory_space<hbm>>) dst(%arg9 : memref<80x128xf32, #tpu.memory_space<vmem>>)
      %dma_wait3A_72 = arith.constant 0 : i32
      %dma_wait3A_73 = tpu.memref_slice %arg8[%dma_wait3A_72] : memref<10000xi32, #tpu.memory_space<vmem>> -> memref<80xi32, #tpu.memory_space<vmem>>
      %dma_wait3A_74 = arith.constant 0 : i32
      %dma_wait3A_75 = arith.constant 0 : i32
      %dma_wait3A_76 = tpu.memref_slice %arg2[%dma_wait3A_74, %dma_wait3A_75] : memref<10000x128xf32, #tpu.memory_space<hbm>> -> memref<10000x128xf32, #tpu.memory_space<hbm>>
      tpu.wait_indirect_dma semaphore(%arg15 : memref<!tpu.dma_semaphore, #tpu.memory_space<semaphore_mem>>) src(%dma_wait3A_76 : memref<10000x128xf32, #tpu.memory_space<hbm>>) dst(%arg11 : memref<80x128xf32, #tpu.memory_space<vmem>>)
      %mul3A_77 = arith.constant 80 : i32
      %mul3A_78 = arith.muli %mul3A_62, %mul3A_77 : i32
      %add3A_79 = arith.addi %mul3A_2, %mul3A_78 : i32
      %dma_start3A_80 = arith.constant 0 : i32
      %dma_start3A_81 = tpu.memref_slice %arg5[%add3A_79, %dma_start3A_80] : memref<320000x128xf32, #tpu.memory_space<hbm>> -> memref<80x128xf32, #tpu.memory_space<hbm>>
      %dma_start3A_82 = arith.constant 0 : i32
      %dma_start3A_83 = tpu.memref_slice %arg5[%add3A_79, %dma_start3A_82] : memref<320000x128xf32, #tpu.memory_space<hbm>> -> memref<80x128xf32, #tpu.memory_space<hbm>>
      tpu.enqueue_dma source(%arg9 : memref<80x128xf32, #tpu.memory_space<vmem>>) target(%dma_start3A_83 : memref<80x128xf32, #tpu.memory_space<hbm>>) target_semaphore(%arg17 : memref<!tpu.dma_semaphore, #tpu.memory_space<semaphore_mem>>)
      %dma_start3A_84 = arith.constant 0 : i32
      %dma_start3A_85 = tpu.memref_slice %arg6[%add3A_79, %dma_start3A_84] : memref<320000x128xf32, #tpu.memory_space<hbm>> -> memref<80x128xf32, #tpu.memory_space<hbm>>
      %dma_start3A_86 = arith.constant 0 : i32
      %dma_start3A_87 = tpu.memref_slice %arg6[%add3A_79, %dma_start3A_86] : memref<320000x128xf32, #tpu.memory_space<hbm>> -> memref<80x128xf32, #tpu.memory_space<hbm>>
      tpu.enqueue_dma source(%arg11 : memref<80x128xf32, #tpu.memory_space<vmem>>) target(%dma_start3A_87 : memref<80x128xf32, #tpu.memory_space<hbm>>) target_semaphore(%arg19 : memref<!tpu.dma_semaphore, #tpu.memory_space<semaphore_mem>>)
      %mul3A_88 = arith.constant 2 : i32
      %mul3A_89 = arith.muli %mul3A_88, %scan3A_60 : i32
      %add3A_90 = arith.constant 1 : i32
      %add3A_91 = arith.addi %mul3A_89, %add3A_90 : i32
      %add3A_92 = arith.constant 1 : i32
      %add3A_93 = arith.addi %add3A_91, %add3A_92 : i32
      %lt3A_94 = arith.constant 125 : i32
      %lt3A_95 = arith.cmpi slt, %add3A_93, %lt3A_94 : i32
      %convert_element_type3A_96 = arith.extui %lt3A_95 : i1 to i32
      %cond3A_97 = arith.constant 0 : i32
      %cond3A_98 = arith.cmpi ne, %convert_element_type3A_96, %cond3A_97 : i32
      scf.if %cond3A_98 {
        %ge3A = arith.constant 1 : i32
        %ge3A_120 = arith.cmpi sge, %add3A_91, %ge3A : i32
        %convert_element_type3A_121 = arith.extui %ge3A_120 : i1 to i32
        %cond3A_122 = arith.constant 0 : i32
        %cond3A_123 = arith.cmpi ne, %convert_element_type3A_121, %cond3A_122 : i32
        scf.if %cond3A_123 {
          %dma_wait3A_136 = arith.constant 0 : i32
          %dma_wait3A_137 = arith.constant 0 : i32
          %dma_wait3A_138 = tpu.memref_slice %arg5[%dma_wait3A_136, %dma_wait3A_137] : memref<320000x128xf32, #tpu.memory_space<hbm>> -> memref<80x128xf32, #tpu.memory_space<hbm>>
          %dma_wait3A_139 = arith.constant 0 : i32
          %dma_wait3A_140 = arith.constant 0 : i32
          %dma_wait3A_141 = tpu.memref_slice %arg5[%dma_wait3A_139, %dma_wait3A_140] : memref<320000x128xf32, #tpu.memory_space<hbm>> -> memref<80x128xf32, #tpu.memory_space<hbm>>
          tpu.wait_dma2 semaphore(%arg17 : memref<!tpu.dma_semaphore, #tpu.memory_space<semaphore_mem>>) src(%arg9 : memref<80x128xf32, #tpu.memory_space<vmem>>) dst(%dma_wait3A_141 : memref<80x128xf32, #tpu.memory_space<hbm>>)
          %dma_wait3A_142 = arith.constant 0 : i32
          %dma_wait3A_143 = arith.constant 0 : i32
          %dma_wait3A_144 = tpu.memref_slice %arg6[%dma_wait3A_142, %dma_wait3A_143] : memref<320000x128xf32, #tpu.memory_space<hbm>> -> memref<80x128xf32, #tpu.memory_space<hbm>>
          %dma_wait3A_145 = arith.constant 0 : i32
          %dma_wait3A_146 = arith.constant 0 : i32
          %dma_wait3A_147 = tpu.memref_slice %arg6[%dma_wait3A_145, %dma_wait3A_146] : memref<320000x128xf32, #tpu.memory_space<hbm>> -> memref<80x128xf32, #tpu.memory_space<hbm>>
          tpu.wait_dma2 semaphore(%arg19 : memref<!tpu.dma_semaphore, #tpu.memory_space<semaphore_mem>>) src(%arg11 : memref<80x128xf32, #tpu.memory_space<vmem>>) dst(%dma_wait3A_147 : memref<80x128xf32, #tpu.memory_space<hbm>>)
        } else {
        }
        %add3A_124 = arith.constant 1 : i32
        %add3A_125 = arith.addi %add3A_91, %add3A_124 : i32
        %mul3A_126 = arith.constant 80 : i32
        %mul3A_127 = arith.muli %add3A_125, %mul3A_126 : i32
        %dma_start3A_128 = tpu.memref_slice %arg7[%mul3A_127] : memref<10000xi32, #tpu.memory_space<vmem>> -> memref<80xi32, #tpu.memory_space<vmem>>
        %dma_start3A_129 = arith.constant 0 : i32
        %dma_start3A_130 = arith.constant 0 : i32
        %dma_start3A_131 = tpu.memref_slice %arg2[%dma_start3A_129, %dma_start3A_130] : memref<10000x128xf32, #tpu.memory_space<hbm>> -> memref<10000x128xf32, #tpu.memory_space<hbm>>
        tpu.enqueue_indirect_dma source(%dma_start3A_131 : memref<10000x128xf32, #tpu.memory_space<hbm>>) target(%arg9 : memref<80x128xf32, #tpu.memory_space<vmem>>) offsets(%dma_start3A_128 : memref<80xi32, #tpu.memory_space<vmem>>) semaphore(%arg13 : memref<!tpu.dma_semaphore, #tpu.memory_space<semaphore_mem>>)
        %dma_start3A_132 = tpu.memref_slice %arg8[%mul3A_127] : memref<10000xi32, #tpu.memory_space<vmem>> -> memref<80xi32, #tpu.memory_space<vmem>>
        %dma_start3A_133 = arith.constant 0 : i32
        %dma_start3A_134 = arith.constant 0 : i32
        %dma_start3A_135 = tpu.memref_slice %arg2[%dma_start3A_133, %dma_start3A_134] : memref<10000x128xf32, #tpu.memory_space<hbm>> -> memref<10000x128xf32, #tpu.memory_space<hbm>>
        tpu.enqueue_indirect_dma source(%dma_start3A_135 : memref<10000x128xf32, #tpu.memory_space<hbm>>) target(%arg11 : memref<80x128xf32, #tpu.memory_space<vmem>>) offsets(%dma_start3A_132 : memref<80xi32, #tpu.memory_space<vmem>>) semaphore(%arg15 : memref<!tpu.dma_semaphore, #tpu.memory_space<semaphore_mem>>)
      } else {
      }
      %dma_wait3A_99 = arith.constant 0 : i32
      %dma_wait3A_100 = tpu.memref_slice %arg7[%dma_wait3A_99] : memref<10000xi32, #tpu.memory_space<vmem>> -> memref<80xi32, #tpu.memory_space<vmem>>
      %dma_wait3A_101 = arith.constant 0 : i32
      %dma_wait3A_102 = arith.constant 0 : i32
      %dma_wait3A_103 = tpu.memref_slice %arg2[%dma_wait3A_101, %dma_wait3A_102] : memref<10000x128xf32, #tpu.memory_space<hbm>> -> memref<10000x128xf32, #tpu.memory_space<hbm>>
      tpu.wait_indirect_dma semaphore(%arg14 : memref<!tpu.dma_semaphore, #tpu.memory_space<semaphore_mem>>) src(%dma_wait3A_103 : memref<10000x128xf32, #tpu.memory_space<hbm>>) dst(%arg10 : memref<80x128xf32, #tpu.memory_space<vmem>>)
      %dma_wait3A_104 = arith.constant 0 : i32
      %dma_wait3A_105 = tpu.memref_slice %arg8[%dma_wait3A_104] : memref<10000xi32, #tpu.memory_space<vmem>> -> memref<80xi32, #tpu.memory_space<vmem>>
      %dma_wait3A_106 = arith.constant 0 : i32
      %dma_wait3A_107 = arith.constant 0 : i32
      %dma_wait3A_108 = tpu.memref_slice %arg2[%dma_wait3A_106, %dma_wait3A_107] : memref<10000x128xf32, #tpu.memory_space<hbm>> -> memref<10000x128xf32, #tpu.memory_space<hbm>>
      tpu.wait_indirect_dma semaphore(%arg16 : memref<!tpu.dma_semaphore, #tpu.memory_space<semaphore_mem>>) src(%dma_wait3A_108 : memref<10000x128xf32, #tpu.memory_space<hbm>>) dst(%arg12 : memref<80x128xf32, #tpu.memory_space<vmem>>)
      %mul3A_109 = arith.constant 80 : i32
      %mul3A_110 = arith.muli %add3A_91, %mul3A_109 : i32
      %add3A_111 = arith.addi %mul3A_2, %mul3A_110 : i32
      %dma_start3A_112 = arith.constant 0 : i32
      %dma_start3A_113 = tpu.memref_slice %arg5[%add3A_111, %dma_start3A_112] : memref<320000x128xf32, #tpu.memory_space<hbm>> -> memref<80x128xf32, #tpu.memory_space<hbm>>
      %dma_start3A_114 = arith.constant 0 : i32
      %dma_start3A_115 = tpu.memref_slice %arg5[%add3A_111, %dma_start3A_114] : memref<320000x128xf32, #tpu.memory_space<hbm>> -> memref<80x128xf32, #tpu.memory_space<hbm>>
      tpu.enqueue_dma source(%arg10 : memref<80x128xf32, #tpu.memory_space<vmem>>) target(%dma_start3A_115 : memref<80x128xf32, #tpu.memory_space<hbm>>) target_semaphore(%arg18 : memref<!tpu.dma_semaphore, #tpu.memory_space<semaphore_mem>>)
      %dma_start3A_116 = arith.constant 0 : i32
      %dma_start3A_117 = tpu.memref_slice %arg6[%add3A_111, %dma_start3A_116] : memref<320000x128xf32, #tpu.memory_space<hbm>> -> memref<80x128xf32, #tpu.memory_space<hbm>>
      %dma_start3A_118 = arith.constant 0 : i32
      %dma_start3A_119 = tpu.memref_slice %arg6[%add3A_111, %dma_start3A_118] : memref<320000x128xf32, #tpu.memory_space<hbm>> -> memref<80x128xf32, #tpu.memory_space<hbm>>
      tpu.enqueue_dma source(%arg12 : memref<80x128xf32, #tpu.memory_space<vmem>>) target(%dma_start3A_119 : memref<80x128xf32, #tpu.memory_space<hbm>>) target_semaphore(%arg20 : memref<!tpu.dma_semaphore, #tpu.memory_space<semaphore_mem>>)
    }
    %scan3A_16 = arith.constant 62 : i32
    %dma_wait3A = arith.constant 0 : i32
    %dma_wait3A_17 = tpu.memref_slice %arg7[%dma_wait3A] : memref<10000xi32, #tpu.memory_space<vmem>> -> memref<80xi32, #tpu.memory_space<vmem>>
    %dma_wait3A_18 = arith.constant 0 : i32
    %dma_wait3A_19 = arith.constant 0 : i32
    %dma_wait3A_20 = tpu.memref_slice %arg2[%dma_wait3A_18, %dma_wait3A_19] : memref<10000x128xf32, #tpu.memory_space<hbm>> -> memref<10000x128xf32, #tpu.memory_space<hbm>>
    tpu.wait_indirect_dma semaphore(%arg13 : memref<!tpu.dma_semaphore, #tpu.memory_space<semaphore_mem>>) src(%dma_wait3A_20 : memref<10000x128xf32, #tpu.memory_space<hbm>>) dst(%arg9 : memref<80x128xf32, #tpu.memory_space<vmem>>)
    %dma_wait3A_21 = arith.constant 0 : i32
    %dma_wait3A_22 = tpu.memref_slice %arg8[%dma_wait3A_21] : memref<10000xi32, #tpu.memory_space<vmem>> -> memref<80xi32, #tpu.memory_space<vmem>>
    %dma_wait3A_23 = arith.constant 0 : i32
    %dma_wait3A_24 = arith.constant 0 : i32
    %dma_wait3A_25 = tpu.memref_slice %arg2[%dma_wait3A_23, %dma_wait3A_24] : memref<10000x128xf32, #tpu.memory_space<hbm>> -> memref<10000x128xf32, #tpu.memory_space<hbm>>
    tpu.wait_indirect_dma semaphore(%arg15 : memref<!tpu.dma_semaphore, #tpu.memory_space<semaphore_mem>>) src(%dma_wait3A_25 : memref<10000x128xf32, #tpu.memory_space<hbm>>) dst(%arg11 : memref<80x128xf32, #tpu.memory_space<vmem>>)
    %add3A_26 = arith.constant 9920 : i32
    %add3A_27 = arith.addi %mul3A_2, %add3A_26 : i32
    %dma_start3A_28 = arith.constant 0 : i32
    %dma_start3A_29 = tpu.memref_slice %arg5[%add3A_27, %dma_start3A_28] : memref<320000x128xf32, #tpu.memory_space<hbm>> -> memref<80x128xf32, #tpu.memory_space<hbm>>
    %dma_start3A_30 = arith.constant 0 : i32
    %dma_start3A_31 = tpu.memref_slice %arg5[%add3A_27, %dma_start3A_30] : memref<320000x128xf32, #tpu.memory_space<hbm>> -> memref<80x128xf32, #tpu.memory_space<hbm>>
    tpu.enqueue_dma source(%arg9 : memref<80x128xf32, #tpu.memory_space<vmem>>) target(%dma_start3A_31 : memref<80x128xf32, #tpu.memory_space<hbm>>) target_semaphore(%arg17 : memref<!tpu.dma_semaphore, #tpu.memory_space<semaphore_mem>>)
    %dma_start3A_32 = arith.constant 0 : i32
    %dma_start3A_33 = tpu.memref_slice %arg6[%add3A_27, %dma_start3A_32] : memref<320000x128xf32, #tpu.memory_space<hbm>> -> memref<80x128xf32, #tpu.memory_space<hbm>>
    %dma_start3A_34 = arith.constant 0 : i32
    %dma_start3A_35 = tpu.memref_slice %arg6[%add3A_27, %dma_start3A_34] : memref<320000x128xf32, #tpu.memory_space<hbm>> -> memref<80x128xf32, #tpu.memory_space<hbm>>
    tpu.enqueue_dma source(%arg11 : memref<80x128xf32, #tpu.memory_space<vmem>>) target(%dma_start3A_35 : memref<80x128xf32, #tpu.memory_space<hbm>>) target_semaphore(%arg19 : memref<!tpu.dma_semaphore, #tpu.memory_space<semaphore_mem>>)
    %dma_wait3A_36 = arith.constant 0 : i32
    %dma_wait3A_37 = arith.constant 0 : i32
    %dma_wait3A_38 = tpu.memref_slice %arg5[%dma_wait3A_36, %dma_wait3A_37] : memref<320000x128xf32, #tpu.memory_space<hbm>> -> memref<80x128xf32, #tpu.memory_space<hbm>>
    %dma_wait3A_39 = arith.constant 0 : i32
    %dma_wait3A_40 = arith.constant 0 : i32
    %dma_wait3A_41 = tpu.memref_slice %arg5[%dma_wait3A_39, %dma_wait3A_40] : memref<320000x128xf32, #tpu.memory_space<hbm>> -> memref<80x128xf32, #tpu.memory_space<hbm>>
    tpu.wait_dma2 semaphore(%arg18 : memref<!tpu.dma_semaphore, #tpu.memory_space<semaphore_mem>>) src(%arg10 : memref<80x128xf32, #tpu.memory_space<vmem>>) dst(%dma_wait3A_41 : memref<80x128xf32, #tpu.memory_space<hbm>>)
    %dma_wait3A_42 = arith.constant 0 : i32
    %dma_wait3A_43 = arith.constant 0 : i32
    %dma_wait3A_44 = tpu.memref_slice %arg6[%dma_wait3A_42, %dma_wait3A_43] : memref<320000x128xf32, #tpu.memory_space<hbm>> -> memref<80x128xf32, #tpu.memory_space<hbm>>
    %dma_wait3A_45 = arith.constant 0 : i32
    %dma_wait3A_46 = arith.constant 0 : i32
    %dma_wait3A_47 = tpu.memref_slice %arg6[%dma_wait3A_45, %dma_wait3A_46] : memref<320000x128xf32, #tpu.memory_space<hbm>> -> memref<80x128xf32, #tpu.memory_space<hbm>>
    tpu.wait_dma2 semaphore(%arg20 : memref<!tpu.dma_semaphore, #tpu.memory_space<semaphore_mem>>) src(%arg12 : memref<80x128xf32, #tpu.memory_space<vmem>>) dst(%dma_wait3A_47 : memref<80x128xf32, #tpu.memory_space<hbm>>)
    %dma_wait3A_48 = arith.constant 0 : i32
    %dma_wait3A_49 = arith.constant 0 : i32
    %dma_wait3A_50 = tpu.memref_slice %arg5[%dma_wait3A_48, %dma_wait3A_49] : memref<320000x128xf32, #tpu.memory_space<hbm>> -> memref<80x128xf32, #tpu.memory_space<hbm>>
    %dma_wait3A_51 = arith.constant 0 : i32
    %dma_wait3A_52 = arith.constant 0 : i32
    %dma_wait3A_53 = tpu.memref_slice %arg5[%dma_wait3A_51, %dma_wait3A_52] : memref<320000x128xf32, #tpu.memory_space<hbm>> -> memref<80x128xf32, #tpu.memory_space<hbm>>
    tpu.wait_dma2 semaphore(%arg17 : memref<!tpu.dma_semaphore, #tpu.memory_space<semaphore_mem>>) src(%arg9 : memref<80x128xf32, #tpu.memory_space<vmem>>) dst(%dma_wait3A_53 : memref<80x128xf32, #tpu.memory_space<hbm>>)
    %dma_wait3A_54 = arith.constant 0 : i32
    %dma_wait3A_55 = arith.constant 0 : i32
    %dma_wait3A_56 = tpu.memref_slice %arg6[%dma_wait3A_54, %dma_wait3A_55] : memref<320000x128xf32, #tpu.memory_space<hbm>> -> memref<80x128xf32, #tpu.memory_space<hbm>>
    %dma_wait3A_57 = arith.constant 0 : i32
    %dma_wait3A_58 = arith.constant 0 : i32
    %dma_wait3A_59 = tpu.memref_slice %arg6[%dma_wait3A_57, %dma_wait3A_58] : memref<320000x128xf32, #tpu.memory_space<hbm>> -> memref<80x128xf32, #tpu.memory_space<hbm>>
    tpu.wait_dma2 semaphore(%arg19 : memref<!tpu.dma_semaphore, #tpu.memory_space<semaphore_mem>>) src(%arg11 : memref<80x128xf32, #tpu.memory_space<vmem>>) dst(%dma_wait3A_59 : memref<80x128xf32, #tpu.memory_space<hbm>>)
    return
  }
}

#map = affine_map<(d0, d1) -> (0)>
#map1 = affine_map<(d0, d1) -> (0, 0)>
module attributes {stable_mosaic.version = 14 : i64} {
  func.func @_scatter_body(%arg0: i32, %arg1: i32, %arg2: memref<1280000xf32, #tpu.memory_space<hbm>>, %arg3: memref<320000xi32, #tpu.memory_space<hbm>>, %arg4: memref<32x40960xf32, #tpu.memory_space<hbm>>, %arg5: memref<40960xf32, #tpu.memory_space<vmem>>, %arg6: memref<1600xf32, #tpu.memory_space<vmem>>, %arg7: memref<400xi32, #tpu.memory_space<vmem>>) attributes {dimension_semantics = [#tpu.dimension_semantics<core_parallel>, #tpu.dimension_semantics<subcore_parallel>], iteration_bounds = array<i64: 2, 16>, scalar_prefetch = 0 : i64, scratch_operands = 3 : i64, tpu.core_type = #tpu.core_type<sc_vector_subcore>, window_params = [{transform_indices = #map}, {transform_indices = #map}, {transform_indices = #map1}]} {
    %mul3A = arith.constant 2 : i32
    %mul3A_0 = arith.muli %arg1, %mul3A : i32
    %add3A = arith.addi %mul3A_0, %arg0 : i32
    %broadcast_in_dim3A = arith.constant 0.000000e+00 : f32
    %broadcast_in_dim3A_1 = vector.broadcast %broadcast_in_dim3A : f32 to vector<16xf32>
    %scan3A = arith.constant 0 : i32
    %scan3A_2 = arith.constant 0 : i32
    %scan3A_3 = arith.constant 2560 : i32
    %scan3A_4 = arith.addi %scan3A_2, %scan3A_3 : i32
    %scan3A_5 = arith.constant 1 : i32
    scf.for %scan3A_17 = %scan3A_2 to %scan3A_4 step %scan3A_5  : i32 {
      %mul3A_18 = arith.constant 16 : i32
      %mul3A_19 = arith.muli %scan3A_17, %mul3A_18 : i32
      %swap3A = arith.index_cast %mul3A_19 : i32 to index
      %swap3A_20 = tpu.vector_load %arg5[%swap3A] {strides = array<i32>} : memref<40960xf32, #tpu.memory_space<vmem>>, vector<16xf32>,
      tpu.vector_store %arg5[%swap3A], %broadcast_in_dim3A_1 {strides = array<i32>} : memref<40960xf32, #tpu.memory_space<vmem>>, vector<16xf32>,
    }
    %scan3A_6 = arith.constant 2560 : i32
    %iota3A = tpu.iota {dimensions = array<i32: 0>} : vector<16xi32>
    %shift_right_arithmetic3A = arith.constant 2 : i32
    %shift_right_arithmetic3A_7 = vector.broadcast %shift_right_arithmetic3A : i32 to vector<16xi32>
    %shift_right_arithmetic3A_8 = arith.shrsi %iota3A, %shift_right_arithmetic3A_7 : vector<16xi32>
    %and3A = arith.constant 3 : i32
    %and3A_9 = vector.broadcast %and3A : i32 to vector<16xi32>
    %and3A_10 = arith.andi %iota3A, %and3A_9 : vector<16xi32>
    %scan3A_11 = arith.constant 0 : i32
    %scan3A_12 = arith.constant 0 : i32
    %scan3A_13 = arith.constant 25 : i32
    %scan3A_14 = arith.addi %scan3A_12, %scan3A_13 : i32
    %scan3A_15 = arith.constant 1 : i32
    scf.for %scan3A_17 = %scan3A_12 to %scan3A_14 step %scan3A_15  : i32 {
      %mul3A_18 = arith.constant 10000 : i32
      %mul3A_19 = arith.muli %add3A, %mul3A_18 : i32
      %mul3A_20 = arith.constant 400 : i32
      %mul3A_21 = arith.muli %scan3A_17, %mul3A_20 : i32
      %add3A_22 = arith.addi %mul3A_19, %mul3A_21 : i32
      "tpu.region"() ({
        %run_scoped3A = tpu.sem_alloc : memref<!tpu.dma_semaphore, #tpu.memory_space<semaphore_mem>>
        %dma_start3A = tpu.memref_slice %arg3[%add3A_22] : memref<320000xi32, #tpu.memory_space<hbm>> -> memref<400xi32, #tpu.memory_space<hbm>>
        %dma_start3A_31 = tpu.memref_slice %arg3[%add3A_22] : memref<320000xi32, #tpu.memory_space<hbm>> -> memref<400xi32, #tpu.memory_space<hbm>>
        tpu.enqueue_dma source(%dma_start3A_31 : memref<400xi32, #tpu.memory_space<hbm>>) target(%arg7 : memref<400xi32, #tpu.memory_space<vmem>>) target_semaphore(%run_scoped3A : memref<!tpu.dma_semaphore, #tpu.memory_space<semaphore_mem>>)
        %dma_wait3A = tpu.memref_slice %arg3[%add3A_22] : memref<320000xi32, #tpu.memory_space<hbm>> -> memref<400xi32, #tpu.memory_space<hbm>>
        %dma_wait3A_32 = tpu.memref_slice %arg3[%add3A_22] : memref<320000xi32, #tpu.memory_space<hbm>> -> memref<400xi32, #tpu.memory_space<hbm>>
        tpu.wait_dma2 semaphore(%run_scoped3A : memref<!tpu.dma_semaphore, #tpu.memory_space<semaphore_mem>>) src(%dma_wait3A_32 : memref<400xi32, #tpu.memory_space<hbm>>) dst(%arg7 : memref<400xi32, #tpu.memory_space<vmem>>)
        tpu.yield
      }) : () -> ()
      %mul3A_23 = arith.constant 4 : i32
      %mul3A_24 = arith.muli %add3A_22, %mul3A_23 : i32
      "tpu.region"() ({
        %run_scoped3A = tpu.sem_alloc : memref<!tpu.dma_semaphore, #tpu.memory_space<semaphore_mem>>
        %dma_start3A = tpu.memref_slice %arg2[%mul3A_24] : memref<1280000xf32, #tpu.memory_space<hbm>> -> memref<1600xf32, #tpu.memory_space<hbm>>
        %dma_start3A_31 = tpu.memref_slice %arg2[%mul3A_24] : memref<1280000xf32, #tpu.memory_space<hbm>> -> memref<1600xf32, #tpu.memory_space<hbm>>
        tpu.enqueue_dma source(%dma_start3A_31 : memref<1600xf32, #tpu.memory_space<hbm>>) target(%arg6 : memref<1600xf32, #tpu.memory_space<vmem>>) target_semaphore(%run_scoped3A : memref<!tpu.dma_semaphore, #tpu.memory_space<semaphore_mem>>)
        %dma_wait3A = tpu.memref_slice %arg2[%mul3A_24] : memref<1280000xf32, #tpu.memory_space<hbm>> -> memref<1600xf32, #tpu.memory_space<hbm>>
        %dma_wait3A_32 = tpu.memref_slice %arg2[%mul3A_24] : memref<1280000xf32, #tpu.memory_space<hbm>> -> memref<1600xf32, #tpu.memory_space<hbm>>
        tpu.wait_dma2 semaphore(%run_scoped3A : memref<!tpu.dma_semaphore, #tpu.memory_space<semaphore_mem>>) src(%dma_wait3A_32 : memref<1600xf32, #tpu.memory_space<hbm>>) dst(%arg6 : memref<1600xf32, #tpu.memory_space<vmem>>)
        tpu.yield
      }) : () -> ()
      %scan3A_25 = arith.constant 0 : i32
      %scan3A_26 = arith.constant 0 : i32
      %scan3A_27 = arith.constant 100 : i32
      %scan3A_28 = arith.addi %scan3A_26, %scan3A_27 : i32
      %scan3A_29 = arith.constant 1 : i32
      scf.for %scan3A_31 = %scan3A_26 to %scan3A_28 step %scan3A_29  : i32 {
        %mul3A_32 = arith.constant 16 : i32
        %mul3A_33 = arith.muli %scan3A_31, %mul3A_32 : i32
        %get3A = arith.index_cast %mul3A_33 : i32 to index
        %get3A_34 = tpu.vector_load %arg6[%get3A] {strides = array<i32>} : memref<1600xf32, #tpu.memory_space<vmem>>, vector<16xf32>,
        %mul3A_35 = arith.constant 4 : i32
        %mul3A_36 = arith.muli %scan3A_31, %mul3A_35 : i32
        %add3A_37 = vector.broadcast %mul3A_36 : i32 to vector<16xi32>
        %add3A_38 = arith.addi %add3A_37, %shift_right_arithmetic3A_8 : vector<16xi32>
        %gather3A = tpu.vector_load_idx %arg7[%add3A_38] : memref<400xi32, #tpu.memory_space<vmem>>[vector<16xi32>], vector<16xi32>,
        %mul3A_39 = arith.constant 10240 : i32
        %mul3A_40 = vector.broadcast %mul3A_39 : i32 to vector<16xi32>
        %mul3A_41 = arith.muli %and3A_10, %mul3A_40 : vector<16xi32>
        %add3A_42 = arith.addi %mul3A_41, %gather3A : vector<16xi32>
        %eq3A = arith.constant 0 : i32
        %eq3A_43 = vector.broadcast %eq3A : i32 to vector<16xi32>
        %eq3A_44 = arith.cmpi eq, %shift_right_arithmetic3A_8, %eq3A_43 : vector<16xi32>
        tpu.vector_store_idx %arg5[%add3A_42], %get3A_34 masked %eq3A_44 {add = true} : memref<40960xf32, #tpu.memory_space<vmem>>[vector<16xi32>], vector<16xf32>, vector<16xi1>
        %eq3A_45 = arith.constant 1 : i32
        %eq3A_46 = vector.broadcast %eq3A_45 : i32 to vector<16xi32>
        %eq3A_47 = arith.cmpi eq, %shift_right_arithmetic3A_8, %eq3A_46 : vector<16xi32>
        tpu.vector_store_idx %arg5[%add3A_42], %get3A_34 masked %eq3A_47 {add = true} : memref<40960xf32, #tpu.memory_space<vmem>>[vector<16xi32>], vector<16xf32>, vector<16xi1>
        %eq3A_48 = arith.constant 2 : i32
        %eq3A_49 = vector.broadcast %eq3A_48 : i32 to vector<16xi32>
        %eq3A_50 = arith.cmpi eq, %shift_right_arithmetic3A_8, %eq3A_49 : vector<16xi32>
        tpu.vector_store_idx %arg5[%add3A_42], %get3A_34 masked %eq3A_50 {add = true} : memref<40960xf32, #tpu.memory_space<vmem>>[vector<16xi32>], vector<16xf32>, vector<16xi1>
        %eq3A_51 = arith.constant 3 : i32
        %eq3A_52 = vector.broadcast %eq3A_51 : i32 to vector<16xi32>
        %eq3A_53 = arith.cmpi eq, %shift_right_arithmetic3A_8, %eq3A_52 : vector<16xi32>
        tpu.vector_store_idx %arg5[%add3A_42], %get3A_34 masked %eq3A_53 {add = true} : memref<40960xf32, #tpu.memory_space<vmem>>[vector<16xi32>], vector<16xf32>, vector<16xi1>
      }
      %scan3A_30 = arith.constant 100 : i32
    }
    %scan3A_16 = arith.constant 25 : i32
    "tpu.region"() ({
      %run_scoped3A = tpu.sem_alloc : memref<!tpu.dma_semaphore, #tpu.memory_space<semaphore_mem>>
      %dma_start3A = arith.constant 0 : i32
      %dma_start3A_17 = tpu.memref_slice %arg4[%add3A, %dma_start3A] : memref<32x40960xf32, #tpu.memory_space<hbm>> -> memref<1x40960xf32, #tpu.memory_space<hbm>>
      %dma_start3A_18 = tpu.memref_squeeze %dma_start3A_17 : memref<1x40960xf32, #tpu.memory_space<hbm>> -> memref<40960xf32, #tpu.memory_space<hbm>>
      %dma_start3A_19 = arith.constant 0 : i32
      %dma_start3A_20 = tpu.memref_slice %arg4[%add3A, %dma_start3A_19] : memref<32x40960xf32, #tpu.memory_space<hbm>> -> memref<1x40960xf32, #tpu.memory_space<hbm>>
      %dma_start3A_21 = tpu.memref_squeeze %dma_start3A_20 : memref<1x40960xf32, #tpu.memory_space<hbm>> -> memref<40960xf32, #tpu.memory_space<hbm>>
      tpu.enqueue_dma source(%arg5 : memref<40960xf32, #tpu.memory_space<vmem>>) target(%dma_start3A_21 : memref<40960xf32, #tpu.memory_space<hbm>>) target_semaphore(%run_scoped3A : memref<!tpu.dma_semaphore, #tpu.memory_space<semaphore_mem>>)
      %dma_wait3A = arith.constant 0 : i32
      %dma_wait3A_22 = tpu.memref_slice %arg4[%add3A, %dma_wait3A] : memref<32x40960xf32, #tpu.memory_space<hbm>> -> memref<1x40960xf32, #tpu.memory_space<hbm>>
      %dma_wait3A_23 = tpu.memref_squeeze %dma_wait3A_22 : memref<1x40960xf32, #tpu.memory_space<hbm>> -> memref<40960xf32, #tpu.memory_space<hbm>>
      %dma_wait3A_24 = arith.constant 0 : i32
      %dma_wait3A_25 = tpu.memref_slice %arg4[%add3A, %dma_wait3A_24] : memref<32x40960xf32, #tpu.memory_space<hbm>> -> memref<1x40960xf32, #tpu.memory_space<hbm>>
      %dma_wait3A_26 = tpu.memref_squeeze %dma_wait3A_25 : memref<1x40960xf32, #tpu.memory_space<hbm>> -> memref<40960xf32, #tpu.memory_space<hbm>>
      tpu.wait_dma2 semaphore(%run_scoped3A : memref<!tpu.dma_semaphore, #tpu.memory_space<semaphore_mem>>) src(%arg5 : memref<40960xf32, #tpu.memory_space<vmem>>) dst(%dma_wait3A_26 : memref<40960xf32, #tpu.memory_space<hbm>>)
      tpu.yield
    }) : () -> ()
    return
  }
}

module attributes {stable_mosaic.version = 14 : i64} {
  func.func @_mlp_body(%arg0: i32, %arg1: memref<2560x128xf32, #tpu.memory_space<vmem>>, %arg2: memref<2560x128xf32, #tpu.memory_space<vmem>>, %arg3: memref<2560x1xf32, #tpu.memory_space<vmem>>, %arg4: memref<2560x3xf32, #tpu.memory_space<vmem>>, %arg5: memref<128x512xbf16, #tpu.memory_space<vmem>>, %arg6: memref<128x512xbf16, #tpu.memory_space<vmem>>, %arg7: memref<50x512xbf16, #tpu.memory_space<vmem>>, %arg8: memref<1x512xf32, #tpu.memory_space<vmem>>, %arg9: memref<256x256xbf16, #tpu.memory_space<vmem>>, %arg10: memref<1x256xf32, #tpu.memory_space<vmem>>, %arg11: memref<256x1xbf16, #tpu.memory_space<vmem>>, %arg12: memref<1x1xf32, #tpu.memory_space<vmem>>, %arg13: memref<256x256xbf16, #tpu.memory_space<vmem>>, %arg14: memref<1x256xf32, #tpu.memory_space<vmem>>, %arg15: memref<256x1xbf16, #tpu.memory_space<vmem>>, %arg16: memref<1x1xf32, #tpu.memory_space<vmem>>, %arg17: memref<2560x4xf32, #tpu.memory_space<vmem>>) attributes {dimension_semantics = [#tpu.dimension_semantics<arbitrary>], iteration_bounds = array<i64: 125>, scalar_prefetch = 0 : i64, scratch_operands = 0 : i64, tpu.core_type = #tpu.core_type<tc>, window_params = [{transform_indices = @transform_0, window_bounds = array<i64: 2560, 128>}, {transform_indices = @transform_1, window_bounds = array<i64: 2560, 128>}, {transform_indices = @transform_2, window_bounds = array<i64: 2560, 1>}, {transform_indices = @transform_3, window_bounds = array<i64: 2560, 3>}, {pipeline_mode = #tpu.pipeline_mode<synchronous>, transform_indices = @transform_4, window_bounds = array<i64: 128, 512>}, {pipeline_mode = #tpu.pipeline_mode<synchronous>, transform_indices = @transform_5, window_bounds = array<i64: 128, 512>}, {pipeline_mode = #tpu.pipeline_mode<synchronous>, transform_indices = @transform_6, window_bounds = array<i64: 50, 512>}, {pipeline_mode = #tpu.pipeline_mode<synchronous>, transform_indices = @transform_7, window_bounds = array<i64: 1, 512>}, {pipeline_mode = #tpu.pipeline_mode<synchronous>, transform_indices = @transform_8, window_bounds = array<i64: 256, 256>}, {pipeline_mode = #tpu.pipeline_mode<synchronous>, transform_indices = @transform_9, window_bounds = array<i64: 1, 256>}, {pipeline_mode = #tpu.pipeline_mode<synchronous>, transform_indices = @transform_10, window_bounds = array<i64: 256, 1>}, {pipeline_mode = #tpu.pipeline_mode<synchronous>, transform_indices = @transform_11, window_bounds = array<i64: 1, 1>}, {pipeline_mode = #tpu.pipeline_mode<synchronous>, transform_indices = @transform_12, window_bounds = array<i64: 256, 256>}, {pipeline_mode = #tpu.pipeline_mode<synchronous>, transform_indices = @transform_13, window_bounds = array<i64: 1, 256>}, {pipeline_mode = #tpu.pipeline_mode<synchronous>, transform_indices = @transform_14, window_bounds = array<i64: 256, 1>}, {pipeline_mode = #tpu.pipeline_mode<synchronous>, transform_indices = @transform_15, window_bounds = array<i64: 1, 1>}, {transform_indices = @transform_16, window_bounds = array<i64: 2560, 4>}]} {
    %iota3A = tpu.iota {dimensions = array<i32: 1>} : vector<1x50xi32>
    %convert_element_type3A = arith.sitofp %iota3A : vector<1x50xi32> to vector<1x50xf32>
    %mul3A = arith.constant 0.244897962 : f32
    %mul3A_0 = vector.broadcast %mul3A : f32 to vector<1x50xf32>
    %mul3A_1 = arith.mulf %convert_element_type3A, %mul3A_0 : vector<1x50xf32>
    %get3A = arith.constant 0 : index
    %get3A_2 = arith.constant 0 : index
    %get3A_3 = vector.load %arg3[%get3A, %get3A_2] : memref<2560x1xf32, #tpu.memory_space<vmem>>, vector<2560x1xf32>
    %sub3A = vector.broadcast %get3A_3 : vector<2560x1xf32> to vector<2560x50xf32>
    %sub3A_4 = vector.broadcast %mul3A_1 : vector<1x50xf32> to vector<2560x50xf32>
    %sub3A_5 = arith.subf %sub3A, %sub3A_4 : vector<2560x50xf32>
    %integer_pow3A = arith.mulf %sub3A_5, %sub3A_5 : vector<2560x50xf32>
    %mul3A_6 = arith.constant -8.33680534 : f32
    %mul3A_7 = vector.broadcast %mul3A_6 : f32 to vector<2560x50xf32>
    %mul3A_8 = arith.mulf %mul3A_7, %integer_pow3A : vector<2560x50xf32>
    %exp3A = math.exp %mul3A_8 : vector<2560x50xf32>
    %get3A_9 = arith.constant 0 : index
    %get3A_10 = arith.constant 0 : index
    %get3A_11 = vector.load %arg1[%get3A_9, %get3A_10] : memref<2560x128xf32, #tpu.memory_space<vmem>>, vector<2560x128xf32>
    %convert_element_type3A_12 = arith.truncf %get3A_11 : vector<2560x128xf32> to vector<2560x128xbf16>
    %get3A_13 = arith.constant 0 : index
    %get3A_14 = arith.constant 0 : index
    %get3A_15 = vector.load %arg5[%get3A_13, %get3A_14] : memref<128x512xbf16, #tpu.memory_space<vmem>>, vector<128x512xbf16>
    %dot_general3A = arith.constant dense<0.000000e+00> : vector<2560x512xf32>
    %dot_general3A_16 = tpu.matmul %convert_element_type3A_12, %get3A_15, %dot_general3A {dimension_numbers = #tpu.dot_dimension_numbers<[1], [0], [0], [1], [0, 0, 1, 1], [], []>, transpose_lhs_hint = false} : vector<2560x128xbf16>, vector<128x512xbf16>, vector<2560x512xf32> -> vector<2560x512xf32>
    %get3A_17 = arith.constant 0 : index
    %get3A_18 = arith.constant 0 : index
    %get3A_19 = vector.load %arg2[%get3A_17, %get3A_18] : memref<2560x128xf32, #tpu.memory_space<vmem>>, vector<2560x128xf32>
    %convert_element_type3A_20 = arith.truncf %get3A_19 : vector<2560x128xf32> to vector<2560x128xbf16>
    %get3A_21 = arith.constant 0 : index
    %get3A_22 = arith.constant 0 : index
    %get3A_23 = vector.load %arg6[%get3A_21, %get3A_22] : memref<128x512xbf16, #tpu.memory_space<vmem>>, vector<128x512xbf16>
    %dot_general3A_24 = arith.constant dense<0.000000e+00> : vector<2560x512xf32>
    %dot_general3A_25 = tpu.matmul %convert_element_type3A_20, %get3A_23, %dot_general3A_24 {dimension_numbers = #tpu.dot_dimension_numbers<[1], [0], [0], [1], [0, 0, 1, 1], [], []>, transpose_lhs_hint = false} : vector<2560x128xbf16>, vector<128x512xbf16>, vector<2560x512xf32> -> vector<2560x512xf32>
    %add3A = arith.addf %dot_general3A_16, %dot_general3A_25 : vector<2560x512xf32>
    %convert_element_type3A_26 = arith.truncf %exp3A : vector<2560x50xf32> to vector<2560x50xbf16>
    %get3A_27 = arith.constant 0 : index
    %get3A_28 = arith.constant 0 : index
    %get3A_29 = vector.load %arg7[%get3A_27, %get3A_28] : memref<50x512xbf16, #tpu.memory_space<vmem>>, vector<50x512xbf16>
    %dot_general3A_30 = arith.constant dense<0.000000e+00> : vector<2560x512xf32>
    %dot_general3A_31 = tpu.matmul %convert_element_type3A_26, %get3A_29, %dot_general3A_30 {dimension_numbers = #tpu.dot_dimension_numbers<[1], [0], [0], [1], [0, 0, 1, 1], [], []>, transpose_lhs_hint = false} : vector<2560x50xbf16>, vector<50x512xbf16>, vector<2560x512xf32> -> vector<2560x512xf32>
    %add3A_32 = arith.addf %add3A, %dot_general3A_31 : vector<2560x512xf32>
    %get3A_33 = arith.constant 0 : index
    %get3A_34 = arith.constant 0 : index
    %get3A_35 = vector.load %arg8[%get3A_33, %get3A_34] : memref<1x512xf32, #tpu.memory_space<vmem>>, vector<1x512xf32>
    %add3A_36 = vector.broadcast %get3A_35 : vector<1x512xf32> to vector<2560x512xf32>
    %add3A_37 = arith.addf %add3A_32, %add3A_36 : vector<2560x512xf32>
    %mul3A_38 = arith.constant 5.000000e-01 : f32
    %mul3A_39 = vector.broadcast %mul3A_38 : f32 to vector<2560x512xf32>
    %mul3A_40 = arith.mulf %mul3A_39, %add3A_37 : vector<2560x512xf32>
    %mul3A_41 = arith.constant 5.000000e-01 : f32
    %mul3A_42 = vector.broadcast %mul3A_41 : f32 to vector<2560x512xf32>
    %mul3A_43 = arith.mulf %mul3A_42, %add3A_37 : vector<2560x512xf32>
    %tanh3A = math.tanh %mul3A_43 : vector<2560x512xf32>
    %add3A_44 = arith.constant 1.000000e+00 : f32
    %add3A_45 = vector.broadcast %add3A_44 : f32 to vector<2560x512xf32>
    %add3A_46 = arith.addf %add3A_45, %tanh3A : vector<2560x512xf32>
    %mul3A_47 = arith.mulf %mul3A_40, %add3A_46 : vector<2560x512xf32>
    %slice3A = vector.extract_strided_slice %mul3A_47 {offsets = [0, 0], sizes = [2560, 256], strides = [1, 1]} : vector<2560x512xf32> to vector<2560x256xf32>
    %convert_element_type3A_48 = arith.truncf %slice3A : vector<2560x256xf32> to vector<2560x256xbf16>
    %get3A_49 = arith.constant 0 : index
    %get3A_50 = arith.constant 0 : index
    %get3A_51 = vector.load %arg9[%get3A_49, %get3A_50] : memref<256x256xbf16, #tpu.memory_space<vmem>>, vector<256x256xbf16>
    %dot_general3A_52 = arith.constant dense<0.000000e+00> : vector<2560x256xf32>
    %dot_general3A_53 = tpu.matmul %convert_element_type3A_48, %get3A_51, %dot_general3A_52 {dimension_numbers = #tpu.dot_dimension_numbers<[1], [0], [0], [1], [0, 0, 1, 1], [], []>, transpose_lhs_hint = false} : vector<2560x256xbf16>, vector<256x256xbf16>, vector<2560x256xf32> -> vector<2560x256xf32>
    %get3A_54 = arith.constant 0 : index
    %get3A_55 = arith.constant 0 : index
    %get3A_56 = vector.load %arg10[%get3A_54, %get3A_55] : memref<1x256xf32, #tpu.memory_space<vmem>>, vector<1x256xf32>
    %add3A_57 = vector.broadcast %get3A_56 : vector<1x256xf32> to vector<2560x256xf32>
    %add3A_58 = arith.addf %dot_general3A_53, %add3A_57 : vector<2560x256xf32>
    %mul3A_59 = arith.constant 5.000000e-01 : f32
    %mul3A_60 = vector.broadcast %mul3A_59 : f32 to vector<2560x256xf32>
    %mul3A_61 = arith.mulf %mul3A_60, %add3A_58 : vector<2560x256xf32>
    %mul3A_62 = arith.constant 5.000000e-01 : f32
    %mul3A_63 = vector.broadcast %mul3A_62 : f32 to vector<2560x256xf32>
    %mul3A_64 = arith.mulf %mul3A_63, %add3A_58 : vector<2560x256xf32>
    %tanh3A_65 = math.tanh %mul3A_64 : vector<2560x256xf32>
    %add3A_66 = arith.constant 1.000000e+00 : f32
    %add3A_67 = vector.broadcast %add3A_66 : f32 to vector<2560x256xf32>
    %add3A_68 = arith.addf %add3A_67, %tanh3A_65 : vector<2560x256xf32>
    %mul3A_69 = arith.mulf %mul3A_61, %add3A_68 : vector<2560x256xf32>
    %add3A_70 = arith.addf %slice3A, %mul3A_69 : vector<2560x256xf32>
    %convert_element_type3A_71 = arith.truncf %add3A_70 : vector<2560x256xf32> to vector<2560x256xbf16>
    %get3A_72 = arith.constant 0 : index
    %get3A_73 = arith.constant 0 : index
    %get3A_74 = vector.load %arg11[%get3A_72, %get3A_73] : memref<256x1xbf16, #tpu.memory_space<vmem>>, vector<256x1xbf16>
    %dot_general3A_75 = arith.constant dense<0.000000e+00> : vector<2560x1xf32>
    %dot_general3A_76 = tpu.matmul %convert_element_type3A_71, %get3A_74, %dot_general3A_75 {dimension_numbers = #tpu.dot_dimension_numbers<[1], [0], [0], [1], [0, 0, 1, 1], [], []>, transpose_lhs_hint = false} : vector<2560x256xbf16>, vector<256x1xbf16>, vector<2560x1xf32> -> vector<2560x1xf32>
    %get3A_77 = arith.constant 0 : index
    %get3A_78 = arith.constant 0 : index
    %get3A_79 = vector.load %arg12[%get3A_77, %get3A_78] : memref<1x1xf32, #tpu.memory_space<vmem>>, vector<1x1xf32>
    %add3A_80 = vector.broadcast %get3A_79 : vector<1x1xf32> to vector<2560x1xf32>
    %add3A_81 = arith.addf %dot_general3A_76, %add3A_80 : vector<2560x1xf32>
    %mul3A_82 = arith.constant 5.2083336E-4 : f32
    %mul3A_83 = vector.broadcast %mul3A_82 : f32 to vector<2560x1xf32>
    %mul3A_84 = arith.mulf %add3A_81, %mul3A_83 : vector<2560x1xf32>
    %slice3A_85 = vector.extract_strided_slice %mul3A_47 {offsets = [0, 256], sizes = [2560, 256], strides = [1, 1]} : vector<2560x512xf32> to vector<2560x256xf32>
    %convert_element_type3A_86 = arith.truncf %slice3A_85 : vector<2560x256xf32> to vector<2560x256xbf16>
    %get3A_87 = arith.constant 0 : index
    %get3A_88 = arith.constant 0 : index
    %get3A_89 = vector.load %arg13[%get3A_87, %get3A_88] : memref<256x256xbf16, #tpu.memory_space<vmem>>, vector<256x256xbf16>
    %dot_general3A_90 = arith.constant dense<0.000000e+00> : vector<2560x256xf32>
    %dot_general3A_91 = tpu.matmul %convert_element_type3A_86, %get3A_89, %dot_general3A_90 {dimension_numbers = #tpu.dot_dimension_numbers<[1], [0], [0], [1], [0, 0, 1, 1], [], []>, transpose_lhs_hint = false} : vector<2560x256xbf16>, vector<256x256xbf16>, vector<2560x256xf32> -> vector<2560x256xf32>
    %get3A_92 = arith.constant 0 : index
    %get3A_93 = arith.constant 0 : index
    %get3A_94 = vector.load %arg14[%get3A_92, %get3A_93] : memref<1x256xf32, #tpu.memory_space<vmem>>, vector<1x256xf32>
    %add3A_95 = vector.broadcast %get3A_94 : vector<1x256xf32> to vector<2560x256xf32>
    %add3A_96 = arith.addf %dot_general3A_91, %add3A_95 : vector<2560x256xf32>
    %mul3A_97 = arith.constant 5.000000e-01 : f32
    %mul3A_98 = vector.broadcast %mul3A_97 : f32 to vector<2560x256xf32>
    %mul3A_99 = arith.mulf %mul3A_98, %add3A_96 : vector<2560x256xf32>
    %mul3A_100 = arith.constant 5.000000e-01 : f32
    %mul3A_101 = vector.broadcast %mul3A_100 : f32 to vector<2560x256xf32>
    %mul3A_102 = arith.mulf %mul3A_101, %add3A_96 : vector<2560x256xf32>
    %tanh3A_103 = math.tanh %mul3A_102 : vector<2560x256xf32>
    %add3A_104 = arith.constant 1.000000e+00 : f32
    %add3A_105 = vector.broadcast %add3A_104 : f32 to vector<2560x256xf32>
    %add3A_106 = arith.addf %add3A_105, %tanh3A_103 : vector<2560x256xf32>
    %mul3A_107 = arith.mulf %mul3A_99, %add3A_106 : vector<2560x256xf32>
    %add3A_108 = arith.addf %slice3A_85, %mul3A_107 : vector<2560x256xf32>
    %convert_element_type3A_109 = arith.truncf %add3A_108 : vector<2560x256xf32> to vector<2560x256xbf16>
    %get3A_110 = arith.constant 0 : index
    %get3A_111 = arith.constant 0 : index
    %get3A_112 = vector.load %arg15[%get3A_110, %get3A_111] : memref<256x1xbf16, #tpu.memory_space<vmem>>, vector<256x1xbf16>
    %dot_general3A_113 = arith.constant dense<0.000000e+00> : vector<2560x1xf32>
    %dot_general3A_114 = tpu.matmul %convert_element_type3A_109, %get3A_112, %dot_general3A_113 {dimension_numbers = #tpu.dot_dimension_numbers<[1], [0], [0], [1], [0, 0, 1, 1], [], []>, transpose_lhs_hint = false} : vector<2560x256xbf16>, vector<256x1xbf16>, vector<2560x1xf32> -> vector<2560x1xf32>
    %get3A_115 = arith.constant 0 : index
    %get3A_116 = arith.constant 0 : index
    %get3A_117 = vector.load %arg16[%get3A_115, %get3A_116] : memref<1x1xf32, #tpu.memory_space<vmem>>, vector<1x1xf32>
    %add3A_118 = vector.broadcast %get3A_117 : vector<1x1xf32> to vector<2560x1xf32>
    %add3A_119 = arith.addf %dot_general3A_114, %add3A_118 : vector<2560x1xf32>
    %mul3A_120 = arith.constant 3.125000e-02 : f32
    %mul3A_121 = vector.broadcast %mul3A_120 : f32 to vector<2560x1xf32>
    %mul3A_122 = arith.mulf %add3A_119, %mul3A_121 : vector<2560x1xf32>
    %get3A_123 = arith.constant 0 : index
    %get3A_124 = arith.constant 0 : index
    %get3A_125 = vector.load %arg4[%get3A_123, %get3A_124] : memref<2560x3xf32, #tpu.memory_space<vmem>>, vector<2560x3xf32>
    %mul3A_126 = vector.broadcast %mul3A_122 : vector<2560x1xf32> to vector<2560x3xf32>
    %mul3A_127 = arith.mulf %mul3A_126, %get3A_125 : vector<2560x3xf32>
    %concatenate3A = tpu.concatenate %mul3A_84, %mul3A_127 in 1 : vector<2560x1xf32>, vector<2560x3xf32> -> vector<2560x4xf32>
    %swap3A = arith.constant 0 : index
    %swap3A_128 = arith.constant 0 : index
    %swap3A_129 = vector.load %arg17[%swap3A, %swap3A_128] : memref<2560x4xf32, #tpu.memory_space<vmem>>, vector<2560x4xf32>
    tpu.vector_store %arg17[%swap3A, %swap3A_128], %concatenate3A {strides = array<i32>} : memref<2560x4xf32, #tpu.memory_space<vmem>>, vector<2560x4xf32>,
    return
  }
  func.func @transform_0(%arg0: i32) -> (i32, i32) {
    %c0_i32 = arith.constant 0 : i32
    %c0_i32_0 = arith.constant 0 : i32
    return %arg0, %c0_i32 : i32, i32
  }
  func.func @transform_1(%arg0: i32) -> (i32, i32) {
    %c0_i32 = arith.constant 0 : i32
    %c0_i32_0 = arith.constant 0 : i32
    return %arg0, %c0_i32 : i32, i32
  }
  func.func @transform_2(%arg0: i32) -> (i32, i32) {
    %c0_i32 = arith.constant 0 : i32
    %c0_i32_0 = arith.constant 0 : i32
    return %arg0, %c0_i32 : i32, i32
  }
  func.func @transform_3(%arg0: i32) -> (i32, i32) {
    %c0_i32 = arith.constant 0 : i32
    %c0_i32_0 = arith.constant 0 : i32
    return %arg0, %c0_i32 : i32, i32
  }
  func.func @transform_4(%arg0: i32) -> (i32, i32) {
    %c0_i32 = arith.constant 0 : i32
    %c0_i32_0 = arith.constant 0 : i32
    %c0_i32_1 = arith.constant 0 : i32
    return %c0_i32, %c0_i32_0 : i32, i32
  }
  func.func @transform_5(%arg0: i32) -> (i32, i32) {
    %c0_i32 = arith.constant 0 : i32
    %c0_i32_0 = arith.constant 0 : i32
    %c0_i32_1 = arith.constant 0 : i32
    return %c0_i32, %c0_i32_0 : i32, i32
  }
  func.func @transform_6(%arg0: i32) -> (i32, i32) {
    %c0_i32 = arith.constant 0 : i32
    %c0_i32_0 = arith.constant 0 : i32
    %c0_i32_1 = arith.constant 0 : i32
    return %c0_i32, %c0_i32_0 : i32, i32
  }
  func.func @transform_7(%arg0: i32) -> (i32, i32) {
    %c0_i32 = arith.constant 0 : i32
    %c0_i32_0 = arith.constant 0 : i32
    %c0_i32_1 = arith.constant 0 : i32
    return %c0_i32, %c0_i32_0 : i32, i32
  }
  func.func @transform_8(%arg0: i32) -> (i32, i32) {
    %c0_i32 = arith.constant 0 : i32
    %c0_i32_0 = arith.constant 0 : i32
    %c0_i32_1 = arith.constant 0 : i32
    return %c0_i32, %c0_i32_0 : i32, i32
  }
  func.func @transform_9(%arg0: i32) -> (i32, i32) {
    %c0_i32 = arith.constant 0 : i32
    %c0_i32_0 = arith.constant 0 : i32
    %c0_i32_1 = arith.constant 0 : i32
    return %c0_i32, %c0_i32_0 : i32, i32
  }
  func.func @transform_10(%arg0: i32) -> (i32, i32) {
    %c0_i32 = arith.constant 0 : i32
    %c0_i32_0 = arith.constant 0 : i32
    %c0_i32_1 = arith.constant 0 : i32
    return %c0_i32, %c0_i32_0 : i32, i32
  }
  func.func @transform_11(%arg0: i32) -> (i32, i32) {
    %c0_i32 = arith.constant 0 : i32
    %c0_i32_0 = arith.constant 0 : i32
    %c0_i32_1 = arith.constant 0 : i32
    return %c0_i32, %c0_i32_0 : i32, i32
  }
  func.func @transform_12(%arg0: i32) -> (i32, i32) {
    %c0_i32 = arith.constant 0 : i32
    %c0_i32_0 = arith.constant 0 : i32
    %c0_i32_1 = arith.constant 0 : i32
    return %c0_i32, %c0_i32_0 : i32, i32
  }
  func.func @transform_13(%arg0: i32) -> (i32, i32) {
    %c0_i32 = arith.constant 0 : i32
    %c0_i32_0 = arith.constant 0 : i32
    %c0_i32_1 = arith.constant 0 : i32
    return %c0_i32, %c0_i32_0 : i32, i32
  }
  func.func @transform_14(%arg0: i32) -> (i32, i32) {
    %c0_i32 = arith.constant 0 : i32
    %c0_i32_0 = arith.constant 0 : i32
    %c0_i32_1 = arith.constant 0 : i32
    return %c0_i32, %c0_i32_0 : i32, i32
  }
  func.func @transform_15(%arg0: i32) -> (i32, i32) {
    %c0_i32 = arith.constant 0 : i32
    %c0_i32_0 = arith.constant 0 : i32
    %c0_i32_1 = arith.constant 0 : i32
    return %c0_i32, %c0_i32_0 : i32, i32
  }
  func.func @transform_16(%arg0: i32) -> (i32, i32) {
    %c0_i32 = arith.constant 0 : i32
    %c0_i32_0 = arith.constant 0 : i32
    return %arg0, %c0_i32 : i32, i32
  }
}

module attributes {stable_mosaic.version = 14 : i64} {
  func.func @_finish_body(%arg0: memref<32x40960xf32, #tpu.memory_space<vmem>>, %arg1: memref<1x10240xi32, #tpu.memory_space<vmem>>, %arg2: memref<64x1xf32, #tpu.memory_space<vmem>>, %arg3: memref<3x10240xf32, #tpu.memory_space<vmem>>) attributes {dimension_semantics = [], scalar_prefetch = 0 : i64, scratch_operands = 0 : i64, tpu.core_type = #tpu.core_type<tc>} {
    %get3A = arith.constant 0 : index
    %get3A_0 = arith.constant 0 : index
    %get3A_1 = vector.load %arg0[%get3A, %get3A_0] : memref<32x40960xf32, #tpu.memory_space<vmem>>, vector<32x40960xf32>
    %slice3A = vector.extract_strided_slice %get3A_1 {offsets = [0, 0], sizes = [32, 10240], strides = [1, 1]} : vector<32x40960xf32> to vector<32x10240xf32>
    %reduce_sum3A = arith.constant dense<0.000000e+00> : vector<10240xf32>
    %reduce_sum3A_2 = vector.multi_reduction <add>, %slice3A, %reduce_sum3A [0] : vector<32x10240xf32> to vector<10240xf32>
    %broadcast_in_dim3A = vector.shape_cast %reduce_sum3A_2 : vector<10240xf32> to vector<1x10240xf32>
    %slice3A_3 = vector.extract_strided_slice %get3A_1 {offsets = [0, 10240], sizes = [32, 10240], strides = [1, 1]} : vector<32x40960xf32> to vector<32x10240xf32>
    %reduce_sum3A_4 = arith.constant dense<0.000000e+00> : vector<10240xf32>
    %reduce_sum3A_5 = vector.multi_reduction <add>, %slice3A_3, %reduce_sum3A_4 [0] : vector<32x10240xf32> to vector<10240xf32>
    %broadcast_in_dim3A_6 = vector.shape_cast %reduce_sum3A_5 : vector<10240xf32> to vector<1x10240xf32>
    %swap3A = arith.constant 0 : index
    %swap3A_7 = arith.constant 0 : index
    %swap3A_8 = vector.load %arg3[%swap3A, %swap3A_7] : memref<3x10240xf32, #tpu.memory_space<vmem>>, vector<1x10240xf32>
    tpu.vector_store %arg3[%swap3A, %swap3A_7], %broadcast_in_dim3A_6 {strides = array<i32>} : memref<3x10240xf32, #tpu.memory_space<vmem>>, vector<1x10240xf32>,
    %slice3A_9 = vector.extract_strided_slice %get3A_1 {offsets = [0, 20480], sizes = [32, 10240], strides = [1, 1]} : vector<32x40960xf32> to vector<32x10240xf32>
    %reduce_sum3A_10 = arith.constant dense<0.000000e+00> : vector<10240xf32>
    %reduce_sum3A_11 = vector.multi_reduction <add>, %slice3A_9, %reduce_sum3A_10 [0] : vector<32x10240xf32> to vector<10240xf32>
    %broadcast_in_dim3A_12 = vector.shape_cast %reduce_sum3A_11 : vector<10240xf32> to vector<1x10240xf32>
    %swap3A_13 = arith.constant 1 : index
    %swap3A_14 = arith.constant 0 : index
    %swap3A_15 = vector.load %arg3[%swap3A_13, %swap3A_14] : memref<3x10240xf32, #tpu.memory_space<vmem>>, vector<1x10240xf32>
    tpu.vector_store %arg3[%swap3A_13, %swap3A_14], %broadcast_in_dim3A_12 {strides = array<i32>} : memref<3x10240xf32, #tpu.memory_space<vmem>>, vector<1x10240xf32>,
    %slice3A_16 = vector.extract_strided_slice %get3A_1 {offsets = [0, 30720], sizes = [32, 10240], strides = [1, 1]} : vector<32x40960xf32> to vector<32x10240xf32>
    %reduce_sum3A_17 = arith.constant dense<0.000000e+00> : vector<10240xf32>
    %reduce_sum3A_18 = vector.multi_reduction <add>, %slice3A_16, %reduce_sum3A_17 [0] : vector<32x10240xf32> to vector<10240xf32>
    %broadcast_in_dim3A_19 = vector.shape_cast %reduce_sum3A_18 : vector<10240xf32> to vector<1x10240xf32>
    %swap3A_20 = arith.constant 2 : index
    %swap3A_21 = arith.constant 0 : index
    %swap3A_22 = vector.load %arg3[%swap3A_20, %swap3A_21] : memref<3x10240xf32, #tpu.memory_space<vmem>>, vector<1x10240xf32>
    tpu.vector_store %arg3[%swap3A_20, %swap3A_21], %broadcast_in_dim3A_19 {strides = array<i32>} : memref<3x10240xf32, #tpu.memory_space<vmem>>, vector<1x10240xf32>,
    %iota3A = tpu.iota {dimensions = array<i32: 0>} : vector<64x1xi32>
    %get3A_23 = arith.constant 0 : index
    %get3A_24 = arith.constant 0 : index
    %get3A_25 = vector.load %arg1[%get3A_23, %get3A_24] : memref<1x10240xi32, #tpu.memory_space<vmem>>, vector<1x10240xi32>
    %eq3A = vector.broadcast %get3A_25 : vector<1x10240xi32> to vector<64x10240xi32>
    %eq3A_26 = vector.broadcast %iota3A : vector<64x1xi32> to vector<64x10240xi32>
    %eq3A_27 = arith.cmpi eq, %eq3A, %eq3A_26 : vector<64x10240xi32>
    %convert_element_type3A = arith.extui %eq3A_27 : vector<64x10240xi1> to vector<64x10240xi32>
    %convert_element_type3A_28 = arith.sitofp %convert_element_type3A : vector<64x10240xi32> to vector<64x10240xf32>
    %dot_general3A = arith.constant dense<0.000000e+00> : vector<64x1xf32>
    %dot_general3A_29 = tpu.matmul %convert_element_type3A_28, %broadcast_in_dim3A, %dot_general3A {dimension_numbers = #tpu.dot_dimension_numbers<[1], [1], [0], [0], [0, 0, 1, 0], [], []>, transpose_lhs_hint = false} : vector<64x10240xf32>, vector<1x10240xf32>, vector<64x1xf32> -> vector<64x1xf32>
    %swap3A_30 = arith.constant 0 : index
    %swap3A_31 = arith.constant 0 : index
    %swap3A_32 = vector.load %arg2[%swap3A_30, %swap3A_31] : memref<64x1xf32, #tpu.memory_space<vmem>>, vector<64x1xf32>
    tpu.vector_store %arg2[%swap3A_30, %swap3A_31], %dot_general3A_29 {strides = array<i32>} : memref<64x1xf32, #tpu.memory_space<vmem>>, vector<64x1xf32>,
    return
  }
}

</mosaic_0001>

<sc_bundles>
// kernel: kernel.6.cloned.1.call-start
scs
__scs_entry_jumppad:
0x0: {  	(pc) =	sbr.rel $0x88, $3  }
0x1: {  	(tag) =	ssettag $0x0;
	lr =	simm.s32 $0x1  }
0x2: {  	[smem:$0x3F8E] =	sst lr;
	_ =	strace $0xD0000000  }
0x3: {  	_ = 	snop  }
0x4: {  	_ = 	snop  }
0x5: {  	_ = 	snop  }
0x6: {  	_ = 	snop  }
0x7: {  	_ = 	snop  }
__scs_overlays_trampoline_lowered:
0x8: {  	[smem:$0x3F9D] =	sst s0  }
0x9: {  	[smem:$0x3F9E] =	sst s1  }
0xa: {  	[smem:$0x3F9F] =	sst s2  }
0xb: {  	[smem:$0x3FA0] =	sst s3  }
0xc: {  	[smem:$0x3FA1] =	sst s4  }
0xd: {  	[smem:$0x3FA2] =	sst s5  }
0xe: {  	[smem:$0x3FA3] =	sst s6  }
0xf: {  	[smem:$0x3FA4] =	sst s7  }
0x10: {  	[smem:$0x3FA5] =	sst s8  }
0x11: {  	[smem:$0x3FA6] =	sst s9;
	s0 =	simm.s32 @!p0 $0x0  }
0x12: {  	s1 =	sld [smem:$0x3F8C];
	s0 =	simm.s32 @p0 $0x1  }
0x13: {  	[smem:$0x3FA7] =	sst s0;
	s0 =	simm.s32 @!p1 $0x0  }
0x14: {  	s2 =	sld [smem:$0x3F8B];
	s0 =	simm.s32 @p1 $0x1  }
0x15: {  	[smem:$0x3FA8] =	sst s0;
	s0 =	simm.s32 @!p2 $0x0  }
0x16: {  	s3 =	sld [smem:$0x3FDB];
	s0 =	simm.s32 @p2 $0x1  }
0x17: {  	s4 =	simm.s32 $0x1BF5;
	[smem:$0x3FAA] =	sst s0  }
0x18: {  	s0 =	sld [smem:$0x3F8D];
	_ =	swait.ge [sflag:s4], $0x0  }
0x19: {  	s7 =	sld [smem:$0x3F8E]  }
0x1a: {  	s8 =	sadd.s32 $0xFFFFE003, lr  }
0x1b: {  	s9 =	sadd.s32 $0xFFFFFEF7, lr;
	s5 =	simm.s32 $0xFFFFFFFF;
	p2 =	slt.u32 s8, $0xFFFFF086  }
0x1c: {  	p1 =	slt.u32 s9, $0xF7A;
	s5 =	simm.s32 @!p2 $0x0  }
0x1d: {  	s5 =	simm.s32 @p1 $0x1;
	p0 =	seq.s32 s7, s2  }
0x1e: {  	s7 =	smul.u32 @!p0 $0xF7A, s2;
	p2 =	seq.s32 @!p0 s5, $0x0  }
0x1f: {  	s9 =	smul.u32 $0xF7A, s1;
	s8 =	simm.s32 @!p0 $0x1BF5;
	p2 =	por !p2, p0  }
0x20: {  	[sflag:s8] =	ssyncset.s32 @!p0 $0xFFFFF086;
	s6 =	sadd.s32 @!p0 s3, s7;
	s7 =	simm.s32 @!p0 $0x108  }
0x21: {  	s3 =	sadd.s32 s3, s9;
	s6 =	sadd.s32 @!p0 $0x88, s6;
	s7 =	simm.s32 @p2 $0x1082  }
0x22: {  	[simem:s7], [sflag:s8] =	dma.local @!p0 [hbm:s6], $0xF7A  }
0x23: {  	s9 =	sor.u32 $0xD0000000, s2;
	s6 =	simm.s32 $0x108;
	_ =	swait.ge @!p0 [sflag:s8], $0x0  }
0x24: {  	s3 =	sadd.s32 $0x88, s3;
	s6 =	simm.s32 @!p1 $0x1082;
	[sflag:s4] =	ssyncset.s32 $0xFFFFF086  }
0x25: {  	[simem:s6], [sflag:s4] =	dma.local [hbm:s3], $0xF7A  }
0x26: {  	[smem:$0x3F8E] =	sst s1;
	(tag) =	ssettag s2;
	_ =	strace s9  }
0x27: {  	s1 =	sld [smem:$0x3F9E]  }
0x28: {  	s2 =	sld [smem:$0x3F9F]  }
0x29: {  	s4 =	sld [smem:$0x3FA1]  }
0x2a: {  	p0 =	seq.s32 s5, $0x0;
	s5 =	sld [smem:$0x3FA2]  }
0x2b: {  	s6 =	sld [smem:$0x3FA3]  }
0x2c: {  	s7 =	sld [smem:$0x3FA4]  }
0x2d: {  	s3 =	simm.s32 $0x108;
	s8 =	sld [smem:$0x3FA5]  }
0x2e: {  	s3 =	simm.s32 @!p0 $0x1082;
	s9 =	sld [smem:$0x3FA6]  }
0x2f: {  	lr =	sadd.s32 s0, s3;
	s0 =	sld [smem:$0x3F9D]  }
0x30: {  	s3 =	sld [smem:$0x3FA0]  }
0x31: {  	[smem:$0x3FA9] =	sst s10  }
0x32: {  	s10 =	sld [smem:$0x3FA7];
	_ =	sdelay $0x3  }
0x33: {  	p0 =	seq.s32 s10, $0x1;
	s10 =	sld [smem:$0x3FA9];
	_ =	sdelay $0x3  }
0x34: {  	[smem:$0x3FA9] =	sst s10  }
0x35: {  	s10 =	sld [smem:$0x3FA8];
	_ =	sdelay $0x3  }
0x36: {  	p1 =	seq.s32 s10, $0x1;
	s10 =	sld [smem:$0x3FA9];
	_ =	sdelay $0x3  }
0x37: {  	[smem:$0x3FA9] =	sst s10  }
0x38: {  	s10 =	sld [smem:$0x3FAA]  }
0x39: {  	_ = 	snop;
	(pc) =	sbr.ind lr, $3  }
0x3a: {  	_ = 	snop  }
0x3b: {  	_ = 	snop  }
0x3c: {  	p2 =	seq.s32 s10, $0x1;
	s10 =	sld [smem:$0x3FA9]  }
0x3d: {  	_ =	shalt  }
0x3e: {  	_ =	shalt  }
0x3f: {  	_ =	shalt  }
0x40: {  	_ =	shalt  }
0x41: {  	_ =	shalt  }
0x42: {  	_ =	shalt  }
0x43: {  	_ =	shalt  }
0x44: {  	_ =	shalt  }
0x45: {  	_ =	shalt  }
0x46: {  	_ =	shalt  }
0x47: {  	_ =	shalt  }
0x48: {  	_ =	shalt  }
0x49: {  	_ =	shalt  }
0x4a: {  	_ =	shalt  }
0x4b: {  	_ =	shalt  }
0x4c: {  	_ =	shalt  }
0x4d: {  	_ =	shalt  }
0x4e: {  	_ =	shalt  }
0x4f: {  	_ =	shalt  }
0x50: {  	_ =	shalt  }
0x51: {  	_ =	shalt  }
0x52: {  	_ =	shalt  }
0x53: {  	_ =	shalt  }
0x54: {  	_ =	shalt  }
0x55: {  	_ =	shalt  }
0x56: {  	_ =	shalt  }
0x57: {  	_ =	shalt  }
0x58: {  	_ =	shalt  }
0x59: {  	_ =	shalt  }
0x5a: {  	_ =	shalt  }
0x5b: {  	_ =	shalt  }
0x5c: {  	_ =	shalt  }
0x5d: {  	_ =	shalt  }
0x5e: {  	_ =	shalt  }
0x5f: {  	_ =	shalt  }
0x60: {  	_ =	shalt  }
0x61: {  	_ =	shalt  }
0x62: {  	_ =	shalt  }
0x63: {  	_ =	shalt  }
0x64: {  	_ =	shalt  }
0x65: {  	_ =	shalt  }
0x66: {  	_ =	shalt  }
0x67: {  	_ =	shalt  }
0x68: {  	_ =	shalt  }
0x69: {  	_ =	shalt  }
0x6a: {  	_ =	shalt  }
0x6b: {  	_ =	shalt  }
0x6c: {  	_ =	shalt  }
0x6d: {  	_ =	shalt  }
0x6e: {  	_ =	shalt  }
0x6f: {  	_ =	shalt  }
0x70: {  	_ =	shalt  }
0x71: {  	_ =	shalt  }
0x72: {  	_ =	shalt  }
0x73: {  	_ =	shalt  }
0x74: {  	_ =	shalt  }
0x75: {  	_ =	shalt  }
0x76: {  	_ =	shalt  }
0x77: {  	_ =	shalt  }
0x78: {  	_ =	shalt  }
0x79: {  	_ =	shalt  }
0x7a: {  	_ =	shalt  }
0x7b: {  	_ =	shalt  }
0x7c: {  	_ =	shalt  }
0x7d: {  	_ =	shalt  }
0x7e: {  	_ =	shalt  }
0x7f: {  	_ =	shalt  }
0x80: {  	_ =	shalt  }
0x81: {  	_ =	shalt  }
0x82: {  	_ =	shalt  }
0x83: {  	_ =	shalt  }
0x84: {  	_ =	shalt  }
0x85: {  	_ =	shalt  }
0x86: {  	_ =	shalt  }
0x87: {  	_ =	shalt  }
.Lfunc_end0:
.L_simem_size_0:
called_computation_lowered:
.L_overlay_start_0:
0x88: {  	s2 =	sld [smem:$0x3FD9]  }
0x89: {  	s3 =	sld [smem:$0x3FFE];
	_ =	sdelay $0x1  }
0x8a: {  	s1 =	srdreg.scid  }
0x8b: {  	s0 =	sand.u32 $0x1, s1  }
0x8c: {  	s17 =	sshll.u32 s0, $0xA;
	s2 =	sadd.s32 s3, s2  }
0x8d: {  	s2 =	sadd.s32 s2, s17  }
0x8e: {  	[smem:$0x3FB5] =	sst s2  }
0x8f: {  	_ = 	snop  }
0x90: {  	s2 =	sld [smem:$0x3FC9];
	(tm) =	ssettm $0x1  }
0x91: {  	s18 =	sld [smem:$0x3FFB];
	_ =	sdelay $0x3  }
0x92: {  	_ =	strace s18  }
0x93: {  	s3 =	sld [smem:$0x3FFC];
	_ =	sdelay $0x3  }
0x94: {  	_ =	strace s3  }
0x95: {  	s3 =	sld [smem:$0x3FFD];
	_ =	sdelay $0x3  }
0x96: {  	_ =	strace s3  }
0x97: {  	_ =	strace $0x8FFFFFFF  }
0x98: {  	s19 =	sld [smem:$0x3FDB];
	_ =	sdelay $0x1  }
0x99: {  	s4 =	simm.s32 $_scs_section_size  }
0x9a: {  	s5 =	simm.s32 $_size__tile_overlayer_lowered;
	s6 =	simm.s32 $_tile_overlayer_lowered  }
0x9b: {  	s22 =	simm.s32 $0x1BFF;
	s21 =	sshll.u32 s6, $0x1;
	s3 =	sadd.s32 s4, s19  }
0x9c: {  	s7 =	simm.s32 $0x0;
	s20 =	sshll.u32 s5, $0x1;
	s5 =	sadd.s32 s21, s3  }
0x9d: {  	[timem:s7], [sflag:s22] =	dma.local [hbm:s5], s20  }
0x9e: {  	_ =	swait.ge [sflag:s22], s20  }
0x9f: {  	s4 =	ssub.s32 $0x0, s20;
	[sflag:s22] =	ssyncset.done $0x0  }
0xa0: {  	[sflag:s22] =	ssyncadd.s32 s4;
	_ =	sdelay $0x1  }
0xa1: {  	s23 =	simm.s32 $0x1B8B  }
0xa2: {  	_ =	swait.ge [sflag:s23], $0x1  }
0xa3: {  	[sflag:s23] =	ssyncset.done $0x0  }
0xa4: {  	s25 =	simm.s32 $0x1B8E;
	s24 =	sld [smem:$0x3FFE];
	[sflag:s23] =	ssyncadd.s32 $0xFFFFFFFF  }
0xa5: {  	s26 =	simm.s32 $execute0_lowered;
	[smem:$0x3FD2] =	sst s25  }
0xa6: {  	s5 =	sshll.u32 s26, $0x1;
	_ =	strace $0x80000046;
	[dreg:$0x1] =	wrdreg $0xFFFFFFFF  }
0xa7: {  	s28 =	simm.s32 $_size_execute0_lowered;
	s3 =	sadd.s32 s3, s5;
	[dreg:$0x0] =	wrdreg $0x0  }
0xa8: {  	s5 =	sshll.u32 s28, $0x1;
	[dreg:$0x2] =	wrdreg s3  }
0xa9: {  	[dreg:$0x3] =	wrdreg s5  }
0xaa: {  	[dreg:$0x4] =	wrdreg $0xC0  }
0xab: {  	_ =	task [dreg:s7], $0x5FFFF  }
0xac: {  	[dreg:$0x1] =	wrdreg $0xFFFFFFFF  }
0xad: {  	[dreg:$0x0] =	wrdreg $0x60  }
0xae: {  	[dreg:$0x2] =	wrdreg s2  }
0xaf: {  	[dreg:$0x3] =	wrdreg s24  }
0xb0: {  	[dreg:$0x4] =	wrdreg $0x9  }
0xb1: {  	_ =	task.clear_ibuf [dreg:s7], $0x5FFFF;
	_ =	strace $0x90000046  }
0xb2: {  	s29 =	simm.s32 $0x9;
	_ =	strace $0x80000048  }
0xb3: {  	_ =	swait.ge [sflag:s29], $0x1  }
0xb4: {  	[sflag:s29] =	ssyncadd.s32 $0xFFFFFFFF  }
0xb5: {  	_ =	strace $0x90000048  }
0xb6: {  	_ =	sfence  }
0xb7: {  	s30 =	sld [smem:$0x0];
	_ =	sdelay $0x2  }
0xb8: {  	s31 =	sshll.u32 s1, $0xD;
	s1 =	sshrl.u32 s1, $0x2  }
0xb9: {  	s3 =	sand.u32 $0x4000, s31;
	s1 =	sadd.s32 s1, s30  }
0xba: {  	s0 =	sor.u32 s3, s0;
	s1 =	sshll.u32 s1, $0x11  }
0xbb: {  	s0 =	sor.u32 s1, s0  }
0xbc: {  	s0 =	sadd.s32 $0x8F2B, s0  }
0xbd: {  	[sflag:s0] =	ssyncadd.remote.s32 $0x1  }
0xbe: {  	_ =	sfence.sel $0xFFFF  }
0xbf: {  	[dreg:$0x0] =	wrdreg $0xFFFFFFFF;
	(pc) =	sbr.abs _section_cstart, $3  }
0xc0: {  	[dreg:$0x1] =	wrdreg $0xFFFFFFFF  }
0xc1: {  	_ =	task.clear_ibuf [dreg:s7], $0x2FFFF;
	_ =	strace $0x9FFFFFFF  }
0xc2: {  	(tm) =	ssettm $0x7FFFFFFF  }
0xc3: {  	_ =	shalt  }
tec
execute0_lowered:
.L_overlay_start_1:
0x0: {  	(tag) =	ssettag $0x1  }
0x1: {  	s0 =	srdreg.scid;
	s2 =	rddreg [dreg:$0x0]  }
0x2: {  	s10 =	stileid.u32;
	s4 =	rddreg [dreg:$0x1]  }
0x3: {  	s3 =	simm.s32 $0x0;
	s15 =	simm.s32 $0x9;
	s16 =	simm.s32 $0x2780  }
0x4: {  	s17 =	simm.s32 $0x50;
	s18 =	simm.s32 $0x4F00;
	s19 =	simm.s32 $0x9F00  }
0x5: {  	s20 =	simm.s32 $0x7700;
	s22 =	simm.s32 $0xC700;
	s23 =	simm.s32 $0x1  }
0x6: {  	s30 =	simm.s32 $0x2;
	s31 =	simm.s32 $0x4;
	s21 =	simm.s32 $0x0  }
0x7: {  	s0 =	sand.u32 $0x1, s0;
	s1 =	sshll.u32 s10, $0x1;
	s14 =	smul.u32 $0x4E200, s10  }
0x8: {  	s1 =	sor.u32 s0, s1;
	s6 =	ssub.s32 $0x2, s0;
	s0 =	smul.u32 $0x27100, s0  }
0x9: {  	[smem:$0x7FF] =	sst s3;
	s13 =	sadd.s32 $0x16800, s4;
	s5 =	smul.u32 $0x2710, s1  }
0xa: {  	_ =	strace $0x80000047;
	s7 =	smul.u32 $0x138800, s1;
	s8 =	sshrl.u32 s6, $0x1  }
0xb: {  	s1 =	smul.u32 $0x27100, s1;
	s29 =	sadd.s32 s14, s13;
	s8 =	ssub.s32 s6, s8  }
0xc: {  	s5 =	sshrl.u32 s5, $0x3;
	s25 =	sshrl.u32 s7, $0x3;
	s8 =	smax.u32 s8, $0x1  }
0xd: {  	s9 =	sadd.s32 s13, s1;
	s28 =	sadd.s32 $0x500, s1;
	s5 =	sadd.s32 s5, s4  }
0xe: {  	s4 =	sadd.s32 $0x4F8800, s4;
	s26 =	sadd.s32 $0x26C00, s25;
	s11 =	sadd.s32 s13, s28  }
0xf: {  	s25 =	simm.s32 $0x5;
	s24 =	sadd.s32 $0xCA00, s5;
	s5 =	sadd.s32 $0x2C00, s5  }
0x10: {  	s6 =	sadd.s32 s13, s26;
	s10 =	sadd.s32 s4, s1;
	[dreg:$0x3] =	wrdreg s24  }
0x11: {  	s12 =	sadd.s32 s4, s28;
	s13 =	sadd.s32 s0, s29;
	[dreg:$0x4] =	wrdreg s5  }
0x12: {  	s1 =	simm.s32 $0x6;
	[dreg:$0x5] =	wrdreg s6;
	s5 =	sadd.s32 s4, s26  }
0x13: {  	s4 =	sadd.s32 s14, s4;
	s24 =	simm.s32 $0x3;
	s26 =	simm.s32 $0x7  }
0x14: {  	[dreg:$0x6] =	wrdreg s5;
	s14 =	sadd.s32 s0, s4;
	s0 =	simm.s32 $0x8  }
.LBB2_1:
0x15: {  	s4 =	rddreg [dreg:$0x3]  }
0x16: {  	[tilespmem:s3], [sflag:$0x9] =	stream.linear.gather [hbm4b:s4+s3], $0x2710, $0x38;
	[tilespmem:$0xEF00] =	vst v63  }
0x17: {  	_ =	swait.ge [sflag:s15], $0x2710  }
0x18: {  	[sflag:s15] =	ssyncset.done $0x0  }
0x19: {  	s7 =	rddreg [dreg:$0x4];
	[sflag:s15] =	ssyncadd.s32 $0xFFFFD8F0  }
0x1a: {  	[tilespmem:s16], [sflag:$0x9] =	stream.linear.gather [hbm4b:s7+s3], $0x2710, $0x38;
	[tilespmem:$0xEF00] =	vst v63  }
0x1b: {  	_ =	swait.ge [sflag:s15], $0x2710  }
0x1c: {  	[sflag:s15] =	ssyncset.done $0x0  }
0x1d: {  	[sflag:s15] =	ssyncadd.s32 $0xFFFFD8F0  }
0x1e: {  	[tilespmem:s18], [sflag:$0x1] =	stream.indirect.gather [hbm4b:s2+s17], $0x80, s3, s17, $0xb8;
	[tilespmem:$0xEF00] =	vst v63  }
0x1f: {  	_ = 	snop  }
0x20: {  	[tilespmem:s19], [sflag:$0x3] =	stream.indirect.gather [hbm4b:s2+s17], $0x80, s16, s17, $0xb8;
	[tilespmem:$0xEF00] =	vst v63  }
0x21: {  	_ = 	snop  }
0x22: {  	[tilespmem:s20], [sflag:$0x2] =	stream.indirect.gather [hbm4b:s2+s17], $0x80, s17, s17, $0xb8;
	[tilespmem:$0xEF00] =	vst v63  }
0x23: {  	s5 =	simm.s32 $0x27D0  }
0x24: {  	[tilespmem:s22], [sflag:$0x4] =	stream.indirect.gather [hbm4b:s2+s17], $0x80, s5, s17, $0xb8;
	[tilespmem:$0xEF00] =	vst v63  }
0x25: {  	_ =	swait.ge [sflag:s23], $0x2800  }
0x26: {  	[sflag:s23] =	ssyncset.done $0x0  }
0x27: {  	[sflag:s23] =	ssyncadd.s32 $0xFFFFD800  }
0x28: {  	_ =	swait.ge [sflag:s24], $0x2800  }
0x29: {  	[sflag:s24] =	ssyncset.done $0x0  }
0x2a: {  	[sflag:s24] =	ssyncadd.s32 $0xFFFFD800  }
0x2b: {  	[hbm4b:s9+s3] =	stream.linear.scatter [tilespmem:s18], [sflag:$0x5], $0x2800, $0x38;
	[tilespmem:$0xEF00] =	vst v63  }
0x2c: {  	_ = 	snop  }
0x2d: {  	[hbm4b:s10+s3] =	stream.linear.scatter [tilespmem:s19], [sflag:$0x7], $0x2800, $0x38;
	[tilespmem:$0xEF00] =	vst v63  }
0x2e: {  	_ =	swait.ge [sflag:s25], $0x2800  }
0x2f: {  	[sflag:s25] =	ssyncset.done $0x0  }
0x30: {  	[sflag:s25] =	ssyncadd.s32 $0xFFFFD800  }
0x31: {  	_ =	swait.ge [sflag:s26], $0x2800  }
0x32: {  	[sflag:s26] =	ssyncset.done $0x0  }
0x33: {  	s6 =	simm.s32 $0xA0;
	[sflag:s26] =	ssyncadd.s32 $0xFFFFD800  }
0x34: {  	[tilespmem:s18], [sflag:$0x1] =	stream.indirect.gather [hbm4b:s2+s17], $0x80, s6, s17, $0xb8;
	[tilespmem:$0xEF00] =	vst v63  }
0x35: {  	s7 =	simm.s32 $0x2820  }
0x36: {  	[tilespmem:s19], [sflag:$0x3] =	stream.indirect.gather [hbm4b:s2+s17], $0x80, s7, s17, $0xb8;
	[tilespmem:$0xEF00] =	vst v63  }
0x37: {  	_ =	swait.ge [sflag:s30], $0x2800  }
0x38: {  	[sflag:s30] =	ssyncset.done $0x0  }
0x39: {  	[sflag:s30] =	ssyncadd.s32 $0xFFFFD800  }
0x3a: {  	_ =	swait.ge [sflag:s31], $0x2800  }
0x3b: {  	[sflag:s31] =	ssyncset.done $0x0  }
0x3c: {  	[sflag:s31] =	ssyncadd.s32 $0xFFFFD800  }
0x3d: {  	[hbm4b:s11+s3] =	stream.linear.scatter [tilespmem:s20], [sflag:$0x6], $0x2800, $0x38;
	[tilespmem:$0xEF00] =	vst v63  }
0x3e: {  	_ = 	snop  }
0x3f: {  	[hbm4b:s12+s3] =	stream.linear.scatter [tilespmem:s22], [sflag:$0x8], $0x2800, $0x38;
	[tilespmem:$0xEF00] =	vst v63  }
0x40: {  	_ =	swait.ge [sflag:s1], $0x2800  }
0x41: {  	[sflag:s1] =	ssyncset.done $0x0  }
0x42: {  	[sflag:s1] =	ssyncadd.s32 $0xFFFFD800  }
0x43: {  	_ =	swait.ge [sflag:s0], $0x2800  }
0x44: {  	[sflag:s0] =	ssyncset.done $0x0  }
0x45: {  	s5 =	simm.s32 $0xF0;
	[sflag:s0] =	ssyncadd.s32 $0xFFFFD800  }
0x46: {  	[tilespmem:s20], [sflag:$0x2] =	stream.indirect.gather [hbm4b:s2+s17], $0x80, s5, s17, $0xb8;
	[tilespmem:$0xEF00] =	vst v63  }
0x47: {  	s6 =	simm.s32 $0x2870  }
0x48: {  	[tilespmem:s22], [sflag:$0x4] =	stream.indirect.gather [hbm4b:s2+s17], $0x80, s6, s17, $0xb8;
	[tilespmem:$0xEF00] =	vst v63  }
0x49: {  	_ =	swait.ge [sflag:s23], $0x2800  }
0x4a: {  	[sflag:s23] =	ssyncset.done $0x0  }
0x4b: {  	[sflag:s23] =	ssyncadd.s32 $0xFFFFD800  }
0x4c: {  	_ =	swait.ge [sflag:s24], $0x2800  }
0x4d: {  	s4 =	sadd.s32 $0x0, s13;
	[sflag:s24] =	ssyncset.done $0x0  }
0x4e: {  	s29 =	sadd.s32 $0x0, s14;
	s5 =	sadd.s32 $0xA00, s4;
	[sflag:s24] =	ssyncadd.s32 $0xFFFFD800  }
0x4f: {  	[hbm4b:s5+s3] =	stream.linear.scatter [tilespmem:s18], [sflag:$0x5], $0x2800, $0x38;
	[tilespmem:$0xEF00] =	vst v63  }
0x50: {  	s7 =	sadd.s32 $0xA00, s29  }
0x51: {  	[hbm4b:s7+s3] =	stream.linear.scatter [tilespmem:s19], [sflag:$0x7], $0x2800, $0x38;
	[tilespmem:$0xEF00] =	vst v63  }
0x52: {  	_ =	swait.ge [sflag:s25], $0x2800  }
0x53: {  	[sflag:s25] =	ssyncset.done $0x0  }
0x54: {  	[sflag:s25] =	ssyncadd.s32 $0xFFFFD800  }
0x55: {  	_ =	swait.ge [sflag:s26], $0x2800  }
0x56: {  	[sflag:s26] =	ssyncset.done $0x0  }
0x57: {  	s6 =	simm.s32 $0x140;
	[sflag:s26] =	ssyncadd.s32 $0xFFFFD800  }
0x58: {  	[tilespmem:s18], [sflag:$0x1] =	stream.indirect.gather [hbm4b:s2+s17], $0x80, s6, s17, $0xb8;
	[tilespmem:$0xEF00] =	vst v63  }
0x59: {  	s7 =	simm.s32 $0x28C0  }
0x5a: {  	[tilespmem:s19], [sflag:$0x3] =	stream.indirect.gather [hbm4b:s2+s17], $0x80, s7, s17, $0xb8;
	[tilespmem:$0xEF00] =	vst v63  }
0x5b: {  	_ =	swait.ge [sflag:s30], $0x2800  }
0x5c: {  	[sflag:s30] =	ssyncset.done $0x0  }
0x5d: {  	[sflag:s30] =	ssyncadd.s32 $0xFFFFD800  }
0x5e: {  	_ =	swait.ge [sflag:s31], $0x2800  }
0x5f: {  	[sflag:s31] =	ssyncset.done $0x0  }
0x60: {  	s28 =	simm.s32 $0xA00;
	s4 =	sadd.s32 $0xF00, s4;
	[sflag:s31] =	ssyncadd.s32 $0xFFFFD800  }
0x61: {  	[hbm4b:s4+s3] =	stream.linear.scatter [tilespmem:s20], [sflag:$0x6], $0x2800, $0x38;
	[tilespmem:$0xEF00] =	vst v63  }
0x62: {  	s5 =	sadd.s32 $0xF00, s29;
	s29 =	simm.s32 $0x1E0;
	s4 =	simm.s32 $0x2960  }
.LBB2_2:
0x63: {  	[hbm4b:s5+s3] =	stream.linear.scatter [tilespmem:s22], [sflag:$0x8], $0x2800, $0x38;
	[tilespmem:$0xEF00] =	vst v63  }
0x64: {  	s5 =	smov.u32 s28  }
0x65: {  	p0 =	sne.s32 s28, $0x25800;
	s28 =	sadd.s32 $0xA00, s28;
	_ =	swait.ge [sflag:s1], $0x2800  }
0x66: {  	[sflag:s1] =	ssyncset.done $0x0  }
0x67: {  	[sflag:s1] =	ssyncadd.s32 $0xFFFFD800  }
0x68: {  	_ =	swait.ge [sflag:s0], $0x2800  }
0x69: {  	[sflag:s0] =	ssyncset.done $0x0  }
0x6a: {  	s6 =	sadd.s32 $0xFFFFFFB0, s29;
	[sflag:s0] =	ssyncadd.s32 $0xFFFFD800  }
0x6b: {  	[tilespmem:s20], [sflag:$0x2] =	stream.indirect.gather [hbm4b:s2+s17], $0x80, s6, s17, $0xb8;
	[tilespmem:$0xEF00] =	vst v63  }
0x6c: {  	s6 =	sadd.s32 $0xFFFFFFB0, s4  }
0x6d: {  	[tilespmem:s22], [sflag:$0x4] =	stream.indirect.gather [hbm4b:s2+s17], $0x80, s6, s17, $0xb8;
	[tilespmem:$0xEF00] =	vst v63  }
0x6e: {  	_ =	swait.ge [sflag:s23], $0x2800  }
0x6f: {  	[sflag:s23] =	ssyncset.done $0x0  }
0x70: {  	[sflag:s23] =	ssyncadd.s32 $0xFFFFD800  }
0x71: {  	_ =	swait.ge [sflag:s24], $0x2800  }
0x72: {  	s6 =	sadd.s32 s5, s13;
	[sflag:s24] =	ssyncset.done $0x0  }
0x73: {  	s5 =	sadd.s32 s5, s14;
	s7 =	sadd.s32 $0xA00, s6;
	[sflag:s24] =	ssyncadd.s32 $0xFFFFD800  }
0x74: {  	[hbm4b:s7+s3] =	stream.linear.scatter [tilespmem:s18], [sflag:$0x5], $0x2800, $0x38;
	[tilespmem:$0xEF00] =	vst v63  }
0x75: {  	s7 =	sadd.s32 $0xA00, s5  }
0x76: {  	[hbm4b:s7+s3] =	stream.linear.scatter [tilespmem:s19], [sflag:$0x7], $0x2800, $0x38;
	[tilespmem:$0xEF00] =	vst v63  }
0x77: {  	_ =	swait.ge [sflag:s25], $0x2800  }
0x78: {  	[sflag:s25] =	ssyncset.done $0x0  }
0x79: {  	[sflag:s25] =	ssyncadd.s32 $0xFFFFD800  }
0x7a: {  	_ =	swait.ge [sflag:s26], $0x2800  }
0x7b: {  	[sflag:s26] =	ssyncset.done $0x0  }
0x7c: {  	[sflag:s26] =	ssyncadd.s32 $0xFFFFD800  }
0x7d: {  	[tilespmem:s18], [sflag:$0x1] =	stream.indirect.gather [hbm4b:s2+s17], $0x80, s29, s17, $0xb8;
	[tilespmem:$0xEF00] =	vst v63  }
0x7e: {  	_ = 	snop  }
0x7f: {  	[tilespmem:s19], [sflag:$0x3] =	stream.indirect.gather [hbm4b:s2+s17], $0x80, s4, s17, $0xb8;
	[tilespmem:$0xEF00] =	vst v63  }
0x80: {  	_ =	swait.ge [sflag:s30], $0x2800  }
0x81: {  	[sflag:s30] =	ssyncset.done $0x0  }
0x82: {  	[sflag:s30] =	ssyncadd.s32 $0xFFFFD800  }
.Ltmp0:
0x83: {  	_ =	swait.ge [sflag:s31], $0x2800;
	(pc) =	sbr.rel @p0 .LBB2_2-.Ltmp0, $4  }
0x84: {  	[sflag:s31] =	ssyncset.done $0x0  }
0x85: {  	s6 =	sadd.s32 $0xF00, s6;
	[sflag:s31] =	ssyncadd.s32 $0xFFFFD800  }
0x86: {  	[hbm4b:s6+s3] =	stream.linear.scatter [tilespmem:s20], [sflag:$0x6], $0x2800, $0x38;
	[tilespmem:$0xEF00] =	vst v63  }
0x87: {  	s5 =	sadd.s32 $0xF00, s5;
	s29 =	sadd.s32 $0xA0, s29;
	s4 =	sadd.s32 $0xA0, s4  }
0x88: {  	[hbm4b:s5+s3] =	stream.linear.scatter [tilespmem:s22], [sflag:$0x8], $0x2800, $0x38;
	[tilespmem:$0xEF00] =	vst v63  }
0x89: {  	_ =	swait.ge [sflag:s23], $0x2800  }
0x8a: {  	[sflag:s23] =	ssyncset.done $0x0  }
0x8b: {  	[sflag:s23] =	ssyncadd.s32 $0xFFFFD800  }
0x8c: {  	_ =	swait.ge [sflag:s24], $0x2800  }
0x8d: {  	[sflag:s24] =	ssyncset.done $0x0  }
0x8e: {  	s4 =	rddreg [dreg:$0x5];
	[sflag:s24] =	ssyncadd.s32 $0xFFFFD800  }
0x8f: {  	[hbm4b:s4+s3] =	stream.linear.scatter [tilespmem:s18], [sflag:$0x5], $0x2800, $0x38;
	[tilespmem:$0xEF00] =	vst v63  }
0x90: {  	s29 =	rddreg [dreg:$0x6]  }
0x91: {  	[hbm4b:s29+s3] =	stream.linear.scatter [tilespmem:s19], [sflag:$0x7], $0x2800, $0x38;
	[tilespmem:$0xEF00] =	vst v63  }
0x92: {  	_ =	swait.ge [sflag:s1], $0x2800  }
0x93: {  	[sflag:s1] =	ssyncset.done $0x0  }
0x94: {  	[sflag:s1] =	ssyncadd.s32 $0xFFFFD800  }
0x95: {  	_ =	swait.ge [sflag:s0], $0x2800  }
0x96: {  	[sflag:s0] =	ssyncset.done $0x0  }
0x97: {  	s21 =	sadd.s32 $0x1, s21;
	[sflag:s0] =	ssyncadd.s32 $0xFFFFD800  }
0x98: {  	p0 =	sne.s32 s21, s8;
	_ =	swait.ge [sflag:s25], $0x2800  }
.Ltmp1:
0x99: {  	[sflag:s25] =	ssyncset.done $0x0;
	(pc) =	sbr.rel @p0 .LBB2_1-.Ltmp1, $4  }
0x9a: {  	[sflag:s25] =	ssyncadd.s32 $0xFFFFD800  }
0x9b: {  	_ =	swait.ge [sflag:s26], $0x2800  }
0x9c: {  	[sflag:s26] =	ssyncset.done $0x0  }
0x9d: {  	[sflag:s26] =	ssyncadd.s32 $0xFFFFD800  }
0x9e: {  	_ =	sfence.sel $0x180000  }
0x9f: {  	[bflag:$0x0] =	sbarrier.arrive $0xFFFF  }
0xa0: {  	_ =	strace $0x90000047  }
0xa1: {  	s0 =	stileid.u32;
	[bflag:$0x2] =	sbarrier.arrive $0xFFFF  }
0xa2: {  	p0 =	sne.s32 s0, $0x0;
	s0 =	rddreg [dreg:$0x2]  }
0xa3: {  	s0 =	sadd.s32 @!p0 $0x100000, s0  }
0xa4: {  	[sflag:s0] =	ssyncadd.tile.s32 @!p0 $0x1;
	_ =	shalt  }
.Lfunc_end2:
_tile_overlayer_lowered:
.L_overlay_start_2:
0xa5: {  	(tag) =	ssettag $0x2  }
0xa6: {  	s0 =	rddreg [dreg:$0x0];
	s2 =	stileid.u32  }
0xa7: {  	s1 =	rddreg [dreg:$0x1];
	p0 =	sne.s32 s2, $0x0  }
0xa8: {  	s3 =	rddreg [dreg:$0x2];
	[bflag:$0x3] =	sbarrier.arrive $0xFFFF;
	s2 =	simm.s32 @!p0 $0x1C09  }
0xa9: {  	[timem:s3], [sflag:s2] =	dma.local @!p0 [hbm:s0], s1  }
0xaa: {  	s0 =	simm.s32 @!p0 $0x9  }
0xab: {  	_ =	swait.ge @!p0 [sflag:s0], s1  }
0xac: {  	s1 =	ssub.s32 @!p0 $0x0, s1;
	[sflag:s0] =	ssyncset.done @!p0 $0x0  }
0xad: {  	[sflag:s0] =	ssyncadd.s32 @!p0 s1  }
0xae: {  	[bflag:$0x3] =	sbarrier.arrive $0xFFFF  }
0xaf: {  	_ =	shalt  }

// kernel: kernel.9.cloned.1.call-start
scs
__scs_entry_jumppad:
0x0: {  	(pc) =	sbr.rel $0x88, $3  }
0x1: {  	(tag) =	ssettag $0x0;
	lr =	simm.s32 $0x1  }
0x2: {  	[smem:$0x3F8E] =	sst lr;
	_ =	strace $0xD0000000  }
0x3: {  	_ = 	snop  }
0x4: {  	_ = 	snop  }
0x5: {  	_ = 	snop  }
0x6: {  	_ = 	snop  }
0x7: {  	_ = 	snop  }
__scs_overlays_trampoline_lowered:
0x8: {  	[smem:$0x3F9D] =	sst s0  }
0x9: {  	[smem:$0x3F9E] =	sst s1  }
0xa: {  	[smem:$0x3F9F] =	sst s2  }
0xb: {  	[smem:$0x3FA0] =	sst s3  }
0xc: {  	[smem:$0x3FA1] =	sst s4  }
0xd: {  	[smem:$0x3FA2] =	sst s5  }
0xe: {  	[smem:$0x3FA3] =	sst s6  }
0xf: {  	[smem:$0x3FA4] =	sst s7  }
0x10: {  	[smem:$0x3FA5] =	sst s8  }
0x11: {  	[smem:$0x3FA6] =	sst s9;
	s0 =	simm.s32 @!p0 $0x0  }
0x12: {  	s1 =	sld [smem:$0x3F8C];
	s0 =	simm.s32 @p0 $0x1  }
0x13: {  	[smem:$0x3FA7] =	sst s0;
	s0 =	simm.s32 @!p1 $0x0  }
0x14: {  	s2 =	sld [smem:$0x3F8B];
	s0 =	simm.s32 @p1 $0x1  }
0x15: {  	[smem:$0x3FA8] =	sst s0;
	s0 =	simm.s32 @!p2 $0x0  }
0x16: {  	s3 =	sld [smem:$0x3FDB];
	s0 =	simm.s32 @p2 $0x1  }
0x17: {  	s4 =	simm.s32 $0x1BF5;
	[smem:$0x3FAA] =	sst s0  }
0x18: {  	s0 =	sld [smem:$0x3F8D];
	_ =	swait.ge [sflag:s4], $0x0  }
0x19: {  	s7 =	sld [smem:$0x3F8E]  }
0x1a: {  	s8 =	sadd.s32 $0xFFFFE003, lr  }
0x1b: {  	s9 =	sadd.s32 $0xFFFFFEF7, lr;
	s5 =	simm.s32 $0xFFFFFFFF;
	p2 =	slt.u32 s8, $0xFFFFF086  }
0x1c: {  	p1 =	slt.u32 s9, $0xF7A;
	s5 =	simm.s32 @!p2 $0x0  }
0x1d: {  	s5 =	simm.s32 @p1 $0x1;
	p0 =	seq.s32 s7, s2  }
0x1e: {  	s7 =	smul.u32 @!p0 $0xF7A, s2;
	p2 =	seq.s32 @!p0 s5, $0x0  }
0x1f: {  	s9 =	smul.u32 $0xF7A, s1;
	s8 =	simm.s32 @!p0 $0x1BF5;
	p2 =	por !p2, p0  }
0x20: {  	[sflag:s8] =	ssyncset.s32 @!p0 $0xFFFFF086;
	s6 =	sadd.s32 @!p0 s3, s7;
	s7 =	simm.s32 @!p0 $0x108  }
0x21: {  	s3 =	sadd.s32 s3, s9;
	s6 =	sadd.s32 @!p0 $0x88, s6;
	s7 =	simm.s32 @p2 $0x1082  }
0x22: {  	[simem:s7], [sflag:s8] =	dma.local @!p0 [hbm:s6], $0xF7A  }
0x23: {  	s9 =	sor.u32 $0xD0000000, s2;
	s6 =	simm.s32 $0x108;
	_ =	swait.ge @!p0 [sflag:s8], $0x0  }
0x24: {  	s3 =	sadd.s32 $0x88, s3;
	s6 =	simm.s32 @!p1 $0x1082;
	[sflag:s4] =	ssyncset.s32 $0xFFFFF086  }
0x25: {  	[simem:s6], [sflag:s4] =	dma.local [hbm:s3], $0xF7A  }
0x26: {  	[smem:$0x3F8E] =	sst s1;
	(tag) =	ssettag s2;
	_ =	strace s9  }
0x27: {  	s1 =	sld [smem:$0x3F9E]  }
0x28: {  	s2 =	sld [smem:$0x3F9F]  }
0x29: {  	s4 =	sld [smem:$0x3FA1]  }
0x2a: {  	p0 =	seq.s32 s5, $0x0;
	s5 =	sld [smem:$0x3FA2]  }
0x2b: {  	s6 =	sld [smem:$0x3FA3]  }
0x2c: {  	s7 =	sld [smem:$0x3FA4]  }
0x2d: {  	s3 =	simm.s32 $0x108;
	s8 =	sld [smem:$0x3FA5]  }
0x2e: {  	s3 =	simm.s32 @!p0 $0x1082;
	s9 =	sld [smem:$0x3FA6]  }
0x2f: {  	lr =	sadd.s32 s0, s3;
	s0 =	sld [smem:$0x3F9D]  }
0x30: {  	s3 =	sld [smem:$0x3FA0]  }
0x31: {  	[smem:$0x3FA9] =	sst s10  }
0x32: {  	s10 =	sld [smem:$0x3FA7];
	_ =	sdelay $0x3  }
0x33: {  	p0 =	seq.s32 s10, $0x1;
	s10 =	sld [smem:$0x3FA9];
	_ =	sdelay $0x3  }
0x34: {  	[smem:$0x3FA9] =	sst s10  }
0x35: {  	s10 =	sld [smem:$0x3FA8];
	_ =	sdelay $0x3  }
0x36: {  	p1 =	seq.s32 s10, $0x1;
	s10 =	sld [smem:$0x3FA9];
	_ =	sdelay $0x3  }
0x37: {  	[smem:$0x3FA9] =	sst s10  }
0x38: {  	s10 =	sld [smem:$0x3FAA]  }
0x39: {  	_ = 	snop;
	(pc) =	sbr.ind lr, $3  }
0x3a: {  	_ = 	snop  }
0x3b: {  	_ = 	snop  }
0x3c: {  	p2 =	seq.s32 s10, $0x1;
	s10 =	sld [smem:$0x3FA9]  }
0x3d: {  	_ =	shalt  }
0x3e: {  	_ =	shalt  }
0x3f: {  	_ =	shalt  }
0x40: {  	_ =	shalt  }
0x41: {  	_ =	shalt  }
0x42: {  	_ =	shalt  }
0x43: {  	_ =	shalt  }
0x44: {  	_ =	shalt  }
0x45: {  	_ =	shalt  }
0x46: {  	_ =	shalt  }
0x47: {  	_ =	shalt  }
0x48: {  	_ =	shalt  }
0x49: {  	_ =	shalt  }
0x4a: {  	_ =	shalt  }
0x4b: {  	_ =	shalt  }
0x4c: {  	_ =	shalt  }
0x4d: {  	_ =	shalt  }
0x4e: {  	_ =	shalt  }
0x4f: {  	_ =	shalt  }
0x50: {  	_ =	shalt  }
0x51: {  	_ =	shalt  }
0x52: {  	_ =	shalt  }
0x53: {  	_ =	shalt  }
0x54: {  	_ =	shalt  }
0x55: {  	_ =	shalt  }
0x56: {  	_ =	shalt  }
0x57: {  	_ =	shalt  }
0x58: {  	_ =	shalt  }
0x59: {  	_ =	shalt  }
0x5a: {  	_ =	shalt  }
0x5b: {  	_ =	shalt  }
0x5c: {  	_ =	shalt  }
0x5d: {  	_ =	shalt  }
0x5e: {  	_ =	shalt  }
0x5f: {  	_ =	shalt  }
0x60: {  	_ =	shalt  }
0x61: {  	_ =	shalt  }
0x62: {  	_ =	shalt  }
0x63: {  	_ =	shalt  }
0x64: {  	_ =	shalt  }
0x65: {  	_ =	shalt  }
0x66: {  	_ =	shalt  }
0x67: {  	_ =	shalt  }
0x68: {  	_ =	shalt  }
0x69: {  	_ =	shalt  }
0x6a: {  	_ =	shalt  }
0x6b: {  	_ =	shalt  }
0x6c: {  	_ =	shalt  }
0x6d: {  	_ =	shalt  }
0x6e: {  	_ =	shalt  }
0x6f: {  	_ =	shalt  }
0x70: {  	_ =	shalt  }
0x71: {  	_ =	shalt  }
0x72: {  	_ =	shalt  }
0x73: {  	_ =	shalt  }
0x74: {  	_ =	shalt  }
0x75: {  	_ =	shalt  }
0x76: {  	_ =	shalt  }
0x77: {  	_ =	shalt  }
0x78: {  	_ =	shalt  }
0x79: {  	_ =	shalt  }
0x7a: {  	_ =	shalt  }
0x7b: {  	_ =	shalt  }
0x7c: {  	_ =	shalt  }
0x7d: {  	_ =	shalt  }
0x7e: {  	_ =	shalt  }
0x7f: {  	_ =	shalt  }
0x80: {  	_ =	shalt  }
0x81: {  	_ =	shalt  }
0x82: {  	_ =	shalt  }
0x83: {  	_ =	shalt  }
0x84: {  	_ =	shalt  }
0x85: {  	_ =	shalt  }
0x86: {  	_ =	shalt  }
0x87: {  	_ =	shalt  }
.Lfunc_end0:
.L_simem_size_0:
called_computation.1_lowered:
.L_overlay_start_0:
0x88: {  	s2 =	sld [smem:$0x3FD9]  }
0x89: {  	s3 =	sld [smem:$0x3FFE];
	_ =	sdelay $0x1  }
0x8a: {  	s1 =	srdreg.scid  }
0x8b: {  	s0 =	sand.u32 $0x1, s1  }
0x8c: {  	s16 =	sshll.u32 s0, $0xA;
	s2 =	sadd.s32 s3, s2  }
0x8d: {  	s2 =	sadd.s32 s2, s16  }
0x8e: {  	[smem:$0x3FB5] =	sst s2  }
0x8f: {  	_ = 	snop  }
0x90: {  	(tm) =	ssettm $0x1  }
0x91: {  	s17 =	sld [smem:$0x3FFB];
	_ =	sdelay $0x3  }
0x92: {  	_ =	strace s17  }
0x93: {  	s2 =	sld [smem:$0x3FFC];
	_ =	sdelay $0x3  }
0x94: {  	_ =	strace s2  }
0x95: {  	s2 =	sld [smem:$0x3FFD];
	_ =	sdelay $0x3  }
0x96: {  	_ =	strace s2  }
0x97: {  	_ =	strace $0x8FFFFFFF  }
0x98: {  	s18 =	sld [smem:$0x3FDB];
	_ =	sdelay $0x1  }
0x99: {  	s19 =	simm.s32 $_scs_section_size  }
0x9a: {  	s4 =	simm.s32 $_size__tile_overlayer_lowered;
	s5 =	simm.s32 $_tile_overlayer_lowered  }
0x9b: {  	s22 =	simm.s32 $0x1BFF;
	s21 =	sshll.u32 s5, $0x1;
	s2 =	sadd.s32 s19, s18  }
0x9c: {  	s6 =	simm.s32 $0x0;
	s20 =	sshll.u32 s4, $0x1;
	s4 =	sadd.s32 s21, s2  }
0x9d: {  	[timem:s6], [sflag:s22] =	dma.local [hbm:s4], s20  }
0x9e: {  	_ =	swait.ge [sflag:s22], s20  }
0x9f: {  	s3 =	ssub.s32 $0x0, s20;
	[sflag:s22] =	ssyncset.done $0x0  }
0xa0: {  	[sflag:s22] =	ssyncadd.s32 s3;
	_ =	sdelay $0x1  }
0xa1: {  	s23 =	simm.s32 $0x1B8B  }
0xa2: {  	_ =	swait.ge [sflag:s23], $0x1  }
0xa3: {  	[sflag:s23] =	ssyncset.done $0x0  }
0xa4: {  	s25 =	simm.s32 $0x1B8E;
	s24 =	sld [smem:$0x3FFE];
	[sflag:s23] =	ssyncadd.s32 $0xFFFFFFFF  }
0xa5: {  	s26 =	simm.s32 $execute0_lowered;
	[smem:$0x3FD2] =	sst s25  }
0xa6: {  	s4 =	sshll.u32 s26, $0x1;
	_ =	strace $0x80000049;
	[dreg:$0x1] =	wrdreg $0xFFFFFFFF  }
0xa7: {  	s28 =	simm.s32 $_size_execute0_lowered;
	s2 =	sadd.s32 s2, s4;
	[dreg:$0x0] =	wrdreg $0x0  }
0xa8: {  	s4 =	sshll.u32 s28, $0x1;
	[dreg:$0x2] =	wrdreg s2  }
0xa9: {  	[dreg:$0x3] =	wrdreg s4  }
0xaa: {  	[dreg:$0x4] =	wrdreg $0xC0  }
0xab: {  	_ =	task [dreg:s6], $0x5FFFF  }
0xac: {  	[dreg:$0x1] =	wrdreg $0xFFFFFFFF  }
0xad: {  	[dreg:$0x0] =	wrdreg $0x60  }
0xae: {  	[dreg:$0x2] =	wrdreg s24  }
0xaf: {  	[dreg:$0x3] =	wrdreg $0x9  }
0xb0: {  	_ =	task.clear_ibuf [dreg:s6], $0x4FFFF;
	_ =	strace $0x90000049  }
0xb1: {  	s29 =	simm.s32 $0x9;
	_ =	strace $0x8000004B  }
0xb2: {  	_ =	swait.ge [sflag:s29], $0x1  }
0xb3: {  	[sflag:s29] =	ssyncadd.s32 $0xFFFFFFFF  }
0xb4: {  	_ =	strace $0x9000004B  }
0xb5: {  	_ =	sfence  }
0xb6: {  	s30 =	sld [smem:$0x0];
	_ =	sdelay $0x2  }
0xb7: {  	s31 =	sshll.u32 s1, $0xD;
	s1 =	sshrl.u32 s1, $0x2  }
0xb8: {  	s3 =	sand.u32 $0x4000, s31;
	s1 =	sadd.s32 s1, s30  }
0xb9: {  	s0 =	sor.u32 s3, s0;
	s1 =	sshll.u32 s1, $0x11  }
0xba: {  	s0 =	sor.u32 s1, s0  }
0xbb: {  	s0 =	sadd.s32 $0x8F2B, s0  }
0xbc: {  	[sflag:s0] =	ssyncadd.remote.s32 $0x1  }
0xbd: {  	_ =	sfence.sel $0xFFFF  }
0xbe: {  	[dreg:$0x0] =	wrdreg $0xFFFFFFFF;
	(pc) =	sbr.abs _section_cstart, $3  }
0xbf: {  	[dreg:$0x1] =	wrdreg $0xFFFFFFFF  }
0xc0: {  	_ =	task.clear_ibuf [dreg:s6], $0x2FFFF;
	_ =	strace $0x9FFFFFFF  }
0xc1: {  	(tm) =	ssettm $0x7FFFFFFF  }
tec
execute0_lowered:
.L_overlay_start_1:
0x0: {  	(tag) =	ssettag $0x1  }
0x1: {  	s1 =	srdreg.scid  }
0x2: {  	s0 =	stileid.u32;
	s5 =	rddreg [dreg:$0x0]  }
0x3: {  	s9 =	simm.s32 $0x1;
	s10 =	simm.s32 $0x80;
	s11 =	simm.s32 $0x400  }
0x4: {  	s12 =	simm.s32 $0x0;
	s4 =	sand.u32 $0x1, s1;
	s2 =	sshll.u32 s0, $0x1  }
0x5: {  	s1 =	rddreg [dreg:$0x1];
	s3 =	sshrl.u32 s0, $0x2;
	s6 =	sor.u32 s4, s2  }
0x6: {  	vm2 =	vcmask $0x3F30;
	s2 =	simm.s32 $0x0;
	s3 =	smul.u32 $0x50000, s3;
	s7 =	sshll.u32 s6, $0x7  }
0x7: {  	s8 =	ssub.s32 $0x2, s4;
	s4 =	sadd.s32 $0xCA00, s5;
	s7 =	sand.u32 $0x380, s7  }
0x8: {  	[smem:$0x7FF] =	sst s2;
	s31 =	sshrl.u32 s8, $0x1;
	s7 =	sor.u32 s3, s7  }
0x9: {  	v1 =	vlaneseq.u32;
	_ =	strace $0x8000004A;
	s8 =	ssub.s32 s8, s31;
	s7 =	sshrl.u32 s7, $0x3  }
0xa: {  	v0 =	vimm.f32 $0.0e+00;
	vm0 =	vcmask $0x1F10;
	v2 =	vand.u32 $0x3, v1;
	s3 =	sadd.s32 $0x16800, s5;
	s7 =	sadd.s32 s7, s5;
	s5 =	smul.u32 $0x2710, s6  }
0xb: {  	vm1 =	vcmask $0x2F20;
	v1 =	vshrl.u32 v1, $0x2;
	v2 =	vmul.u32 $0x2800, v2;
	s6 =	sadd.s32 $0x3DA00, s7;
	s7 =	smax.u32 s8, $0x1;
	s8 =	simm.s32 $0xA680  }
.LBB2_1:
0xc: {  	s13 =	simm.s32 $0x40;
	s14 =	simm.s32 $0x0  }
.LBB2_2:
0xd: {  	p0 =	sne.s32 s13, $0x27FC0;
	[tilespmem:s14+$0x0] =	vst v0;
	s14 =	smov.u32 s13;
	s13 =	sadd.s32 $0x40, s13  }
.Ltmp0:
0xe: {  	(pc) =	sbr.rel @p0 .LBB2_2-.Ltmp0, $2  }
0xf: {  	_ =	sdelay $0x2  }
0x10: {  	s14 =	sshra.s32 s14, $0x2  }
0x11: {  	[tilespmem:s14+$0x0] =	vst v0;
	s13 =	simm.s32 $0x0;
	s14 =	simm.s32 $0x0  }
.LBB2_4:
0x12: {  	s15 =	smul.u32 $0x190, s14;
	_ =	sdelay $0x1  }
0x13: {  	s15 =	sadd.s32 s5, s15  }
0x14: {  	s16 =	sshrl.u32 s15, $0x3  }
0x15: {  	s16 =	sadd.s32 s4, s16  }
0x16: {  	[tilespmem:s8], [sflag:$0x1] =	stream.linear.gather [hbm4b:s16+s13], $0x190, $0x38;
	[tilespmem:$0xA880] =	vst v63  }
0x17: {  	_ =	swait.ge [sflag:s9], $0x190  }
0x18: {  	s15 =	sshrl.u32 s15, $0x1;
	[sflag:s9] =	ssyncset.done $0x0  }
0x19: {  	v3 =	vor.u32 s13, v1;
	s30 =	sadd.s32 s3, s15;
	s15 =	simm.s32 $0xA000;
	[sflag:s9] =	ssyncadd.s32 $0xFFFFFE70  }
0x1a: {  	[tilespmem:s15], [sflag:$0x1] =	stream.linear.gather [hbm4b:s30+s13], $0x640, $0x38;
	[tilespmem:$0xA880] =	vst v63  }
0x1b: {  	_ =	swait.ge [sflag:s9], $0x640  }
0x1c: {  	[sflag:s9] =	ssyncset.done $0x0  }
0x1d: {  	[sflag:s9] =	ssyncadd.s32 $0xFFFFF9C0  }
0x1e: {  	v4 =	vld.idx.msk [tilespmem:v3+s8+$0x0], $0xffff;
	_ =	sdelay $0x4  }
0x1f: {  	v3 =	vld [tilespmem:s15+$0x0];
	v4 =	vadd.s32 v2, v4;
	_ =	sdelay $0x2  }
0x20: {  	s31 =	simm.s32 $0x4  }
0x21: {  	v5 =	vor.u32 s31, v1  }
0x22: {  	[tilespmem:v4+s2+$0x0] =	vst.idx.add.f32.msk $0xf, v3  }
0x23: {  	[tilespmem:v4+s2+$0x0] =	vst.idx.add.f32.msk vm0, v3  }
0x24: {  	s16 =	simm.s32 $0x8;
	[tilespmem:v4+s2+$0x0] =	vst.idx.add.f32.msk vm1, v3  }
.LBB2_5:
0x25: {  	p0 =	sne.s32 s16, $0x18C;
	[tilespmem:v4+s2+$0x0] =	vst.idx.add.f32.msk vm2, v3  }
0x26: {  	s15 =	sadd.s32 $0x10, s15;
	v4 =	vld.idx.msk [tilespmem:v5+s8+$0x0], $0xffff  }
0x27: {  	v3 =	vld [tilespmem:s15+$0x0];
	_ =	sdelay $0x4  }
0x28: {  	v4 =	vadd.s32 v2, v4;
	_ =	sdelay $0x2  }
.Ltmp1:
0x29: {  	(pc) =	sbr.rel @p0 .LBB2_5-.Ltmp1, $4  }
0x2a: {  	v5 =	vor.u32 s16, v1  }
0x2b: {  	[tilespmem:v4+s2+$0x0] =	vst.idx.add.f32.msk $0xf, v3  }
0x2c: {  	[tilespmem:v4+s2+$0x0] =	vst.idx.add.f32.msk vm0, v3  }
0x2d: {  	s16 =	sadd.s32 $0x4, s16;
	[tilespmem:v4+s2+$0x0] =	vst.idx.add.f32.msk vm1, v3  }
0x2e: {  	_ =	sdelay $0x4  }
0x2f: {  	[tilespmem:v4+s2+$0x0] =	vst.idx.add.f32.msk vm2, v3  }
0x30: {  	v3 =	vld.idx.msk [tilespmem:v5+s8+$0x0], $0xffff;
	_ =	sdelay $0x3  }
0x31: {  	s15 =	sadd.s32 $0x10, s15  }
0x32: {  	v4 =	vld [tilespmem:s15+$0x0];
	v3 =	vadd.s32 v2, v3;
	_ =	sdelay $0x1  }
0x33: {  	s14 =	sadd.s32 $0x1, s14  }
0x34: {  	p0 =	sne.s32 s14, $0x19  }
.Ltmp2:
0x35: {  	_ = 	snop;
	(pc) =	sbr.rel @p0 .LBB2_4-.Ltmp2, $4  }
0x36: {  	[tilespmem:v3+s2+$0x0] =	vst.idx.add.f32.msk $0xf, v4  }
0x37: {  	[tilespmem:v3+s2+$0x0] =	vst.idx.add.f32.msk vm0, v4  }
0x38: {  	[tilespmem:v3+s2+$0x0] =	vst.idx.add.f32.msk vm1, v4  }
0x39: {  	[tilespmem:v3+s2+$0x0] =	vst.idx.add.f32.msk vm2, v4  }
0x3a: {  	s12 =	sadd.s32 $0x1, s12  }
0x3b: {  	p0 =	sne.s32 s12, s7  }
.Ltmp3:
0x3c: {  	_ = 	snop;
	(pc) =	sbr.rel @p0 .LBB2_1-.Ltmp3, $4  }
0x3d: {  	[hbm4b:s6+s10] =	stream.strided.scatter [tilespmem:s2], [sflag:$0x1], $0xA000, s11, s10, $0x38;
	[tilespmem:$0xA880] =	vst v63  }
0x3e: {  	_ =	swait.ge [sflag:s9], $0xA000  }
0x3f: {  	[sflag:s9] =	ssyncset.done $0x0  }
0x40: {  	[sflag:s9] =	ssyncadd.s32 $0xFFFF6000  }
0x41: {  	_ =	sfence.sel $0x180000  }
0x42: {  	[bflag:$0x0] =	sbarrier.arrive $0xFFFF  }
0x43: {  	p0 =	sne.s32 s0, $0x0;
	_ =	strace $0x9000004A  }
0x44: {  	s0 =	sadd.s32 @!p0 $0x100000, s1;
	[bflag:$0x2] =	sbarrier.arrive $0xFFFF  }
0x45: {  	[sflag:s0] =	ssyncadd.tile.s32 @!p0 $0x1;
	_ =	shalt  }
.Lfunc_end2:
_tile_overlayer_lowered:
.L_overlay_start_2:
0x46: {  	(tag) =	ssettag $0x2  }
0x47: {  	s0 =	rddreg [dreg:$0x0];
	s2 =	stileid.u32  }
0x48: {  	s1 =	rddreg [dreg:$0x1];
	p0 =	sne.s32 s2, $0x0  }
0x49: {  	s3 =	rddreg [dreg:$0x2];
	[bflag:$0x3] =	sbarrier.arrive $0xFFFF;
	s2 =	simm.s32 @!p0 $0x1C01  }
0x4a: {  	[timem:s3], [sflag:s2] =	dma.local @!p0 [hbm:s0], s1  }
0x4b: {  	s0 =	simm.s32 @!p0 $0x1  }
0x4c: {  	_ =	swait.ge @!p0 [sflag:s0], s1  }
0x4d: {  	s1 =	ssub.s32 @!p0 $0x0, s1;
	[sflag:s0] =	ssyncset.done @!p0 $0x0  }
0x4e: {  	[sflag:s0] =	ssyncadd.s32 @!p0 s1  }
0x4f: {  	[bflag:$0x3] =	sbarrier.arrive $0xFFFF  }
0x50: {  	_ =	shalt  }

</sc_bundles>
